<compile_context>
chip_gen: v7x
topology: tpu7x:2x2x1
jax: 0.10.2.dev20260603
libtpu: 0.0.44.dev20260713+nightly
codegen_flags: <defaults>
</compile_context>

<pallas_src>
import jax
import jax.numpy as jnp
from jax import lax
from jax.experimental import pallas as pl
from jax.experimental.pallas import tpu as pltpu
from jax.experimental.pallas import tpu_sc as plsc

N_NODES = 100000
N_EDGES = 3200000
EDIM = 16
NDIM = 128
NB = 100000

NC = 2
NS = 16
NW = NC * NS

_IW = 125
_ROWS = N_EDGES // _IW
_RPT16 = _ROWS // NS
_BATCH = 4
_NBATCH = _RPT16 // _BATCH
_RPT = 6256
_RPT_LAST = N_NODES - 15 * _RPT


def _seg_body(dst2, attr, zsum, ones_h, out_tbl,
              tbl, idx2, attr_v, ones_v, idx2b, attr_vb,
              semi, sema, semib, semab):
    c = lax.axis_index("c")
    s = lax.axis_index("s")
    @pl.when(s < NS - 1)
    def _():
        pltpu.sync_copy(zsum, tbl.at[pl.ds(s * _RPT, _RPT), :])

    @pl.when(s == NS - 1)
    def _():
        pltpu.sync_copy(zsum.at[pl.ds(0, _RPT_LAST), :],
                        tbl.at[pl.ds(s * _RPT, _RPT_LAST), :])

    pltpu.sync_copy(ones_h, ones_v)
    plsc.subcore_barrier()

    row0 = s * _RPT16

    @pl.when(c == 0)
    def _():
        pltpu.async_copy(dst2.at[pl.ds(row0, _BATCH), :], idx2, semi)
        pltpu.async_copy(attr.at[pl.ds(row0 * _IW, _BATCH * _IW), :],
                         attr_v, sema)

        def batch2(b2, carry):
            b = b2 * 2
            r0 = row0 + b * _BATCH
            r1 = r0 + _BATCH
            r2 = r1 + _BATCH
            pltpu.make_async_copy(dst2.at[pl.ds(r0, _BATCH), :],
                                  idx2, semi).wait()
            pltpu.make_async_copy(attr.at[pl.ds(r0 * _IW, _BATCH * _IW), :],
                                  attr_v, sema).wait()
            pltpu.async_copy(dst2.at[pl.ds(r1, _BATCH), :], idx2b, semib)
            pltpu.async_copy(attr.at[pl.ds(r1 * _IW, _BATCH * _IW), :],
                             attr_vb, semab)
            for j in range(_BATCH):
                pltpu.sync_copy(attr_v.at[pl.ds(j * _IW, _IW), :],
                                tbl.at[idx2.at[j]], add=True)
            pltpu.make_async_copy(dst2.at[pl.ds(r1, _BATCH), :],
                                  idx2b, semib).wait()
            pltpu.make_async_copy(attr.at[pl.ds(r1 * _IW, _BATCH * _IW), :],
                                  attr_vb, semab).wait()

            @pl.when(b2 < _NBATCH // 2 - 1)
            def _():
                pltpu.async_copy(dst2.at[pl.ds(r2, _BATCH), :], idx2, semi)
                pltpu.async_copy(attr.at[pl.ds(r2 * _IW, _BATCH * _IW), :],
                                 attr_v, sema)

            for j in range(_BATCH):
                pltpu.sync_copy(attr_vb.at[pl.ds(j * _IW, _IW), :],
                                tbl.at[idx2b.at[j]], add=True)
            return carry

        lax.fori_loop(0, _NBATCH // 2, batch2, 0)

    @pl.when(c == 1)
    def _():
        def batch(b, carry):
            r0 = row0 + b * _BATCH
            pltpu.sync_copy(dst2.at[pl.ds(r0, _BATCH), :], idx2)
            for j in range(_BATCH):
                pltpu.sync_copy(ones_v, tbl.at[idx2.at[j]], add=True)
            return carry

        lax.fori_loop(0, _NBATCH, batch, 0)

    plsc.subcore_barrier()

    @pl.when(s < NS - 1)
    def _():
        pltpu.sync_copy(tbl.at[pl.ds(s * _RPT, _RPT), :],
                        out_tbl.at[c, pl.ds(s * _RPT, _RPT), :])

    @pl.when(s == NS - 1)
    def _():
        pltpu.sync_copy(tbl.at[pl.ds(s * _RPT, _RPT_LAST), :],
                        out_tbl.at[c, pl.ds(s * _RPT, _RPT_LAST), :])


_sc_mesh = plsc.VectorSubcoreMesh(core_axis_name="c", subcore_axis_name="s",
                                  num_cores=NC, num_subcores=NS)
_sc_params = pltpu.CompilerParams(use_tc_tiling_on_sc=False)

_seg = pl.kernel(
    _seg_body,
    out_type=jax.ShapeDtypeStruct((NC, N_NODES, EDIM), jnp.float32),
    mesh=_sc_mesh,
    scratch_types=[
        pltpu.VMEM_SHARED((N_NODES, EDIM), jnp.float32),
        pltpu.VMEM((_BATCH, _IW), jnp.int32),
        pltpu.VMEM((_BATCH * _IW, EDIM), jnp.float32),
        pltpu.VMEM((_IW, EDIM), jnp.float32),
        pltpu.VMEM((_BATCH, _IW), jnp.int32),
        pltpu.VMEM((_BATCH * _IW, EDIM), jnp.float32),
        pltpu.SemaphoreType.DMA,
        pltpu.SemaphoreType.DMA,
        pltpu.SemaphoreType.DMA,
        pltpu.SemaphoreType.DMA,
    ],
    compiler_params=_sc_params,
)

_BK = 1000


def _mean_body(tbl_ref, mean_ref):
    s = tbl_ref[0]
    cnt = tbl_ref[1, :, 0:1]
    mean_ref[...] = s / jnp.maximum(cnt, 1.0)


_mean = pl.pallas_call(
    _mean_body,
    grid=(N_NODES // _BK,),
    in_specs=[pl.BlockSpec((NC, _BK, EDIM), lambda i: (0, i, 0))],
    out_specs=pl.BlockSpec((_BK, EDIM), lambda i: (i, 0)),
    out_shape=jax.ShapeDtypeStruct((N_NODES, EDIM), jnp.float32),
)

_CPW = 3128
_NJ = 25


def _pair_body(mt, srcp, dstp, outs, outd, isrc, idst, gs, gd, sem1, sem2):
    c = lax.axis_index("c")
    s = lax.axis_index("s")
    w = c * NS + s
    pltpu.sync_copy(srcp.at[w], isrc)
    pltpu.sync_copy(dstp.at[w], idst)
    base = w * _CPW
    lastw = w == NW - 1
    nf = jnp.where(lastw, _NJ - 2, _NJ - 1)

    def issue(j, carry):
        cp1 = pltpu.async_copy(mt.at[isrc.at[j]], gs, sem1)
        cp2 = pltpu.async_copy(mt.at[idst.at[j]], gd, sem2)
        cp1.wait()
        cp2.wait()

        @pl.when(j < nf)
        def _():
            pltpu.sync_copy(gs, outs.at[pl.ds(base + j * 128, 128), :])
            pltpu.sync_copy(gd, outd.at[pl.ds(base + j * 128, 128), :])

        @pl.when((j == nf) & jnp.logical_not(lastw))
        def _():
            pltpu.sync_copy(gs.at[pl.ds(0, 56), :],
                            outs.at[pl.ds(base + j * 128, 56), :])
            pltpu.sync_copy(gd.at[pl.ds(0, 56), :],
                            outd.at[pl.ds(base + j * 128, 56), :])

        @pl.when((j == nf) & lastw)
        def _():
            pltpu.sync_copy(gs.at[pl.ds(0, 88), :],
                            outs.at[pl.ds(base + j * 128, 88), :])
            pltpu.sync_copy(gd.at[pl.ds(0, 88), :],
                            outd.at[pl.ds(base + j * 128, 88), :])

        return carry

    lax.fori_loop(0, _NJ, issue, 0)


_pair = pl.kernel(
    _pair_body,
    out_type=(jax.ShapeDtypeStruct((NB, EDIM), jnp.float32),
              jax.ShapeDtypeStruct((NB, EDIM), jnp.float32)),
    mesh=_sc_mesh,
    scratch_types=[
        pltpu.VMEM((_NJ, 128), jnp.int32),
        pltpu.VMEM((_NJ, 128), jnp.int32),
        pltpu.VMEM((128, EDIM), jnp.float32),
        pltpu.VMEM((128, EDIM), jnp.float32),
        pltpu.SemaphoreType.DMA,
        pltpu.SemaphoreType.DMA,
    ],
    compiler_params=_sc_params,
)



def _edge_body(ms_ref, md_ref, wn_ref, bn_ref, wp_ref, wq_ref, be_ref,
               e_ref):
    hs = jnp.dot(ms_ref[...], wn_ref[...], preferred_element_type=jnp.float32)
    hs = jnp.maximum(hs + bn_ref[...], 0.0)
    hd = jnp.dot(md_ref[...], wn_ref[...], preferred_element_type=jnp.float32)
    hd = jnp.maximum(hd + bn_ref[...], 0.0)
    e_ref[...] = (jnp.dot(hs, wp_ref[...], preferred_element_type=jnp.float32)
                  + jnp.dot(hd, wq_ref[...], preferred_element_type=jnp.float32)
                  + be_ref[...])


_edge = pl.pallas_call(
    _edge_body,
    grid=(NB // _BK,),
    in_specs=[
        pl.BlockSpec((_BK, EDIM), lambda i: (i, 0)),
        pl.BlockSpec((_BK, EDIM), lambda i: (i, 0)),
        pl.BlockSpec((EDIM, NDIM), lambda i: (0, 0)),
        pl.BlockSpec((1, NDIM), lambda i: (0, 0)),
        pl.BlockSpec((NDIM, NDIM), lambda i: (0, 0)),
        pl.BlockSpec((NDIM, NDIM), lambda i: (0, 0)),
        pl.BlockSpec((1, NDIM), lambda i: (0, 0)),
    ],
    out_specs=pl.BlockSpec((_BK, NDIM), lambda i: (i, 0)),
    out_shape=jax.ShapeDtypeStruct((NB, NDIM), jnp.float32),
)


def kernel(x, edge_index, edge_attr, edge_couples,
           W_neigh0, b_neigh0, W_edge0, b_edge0,
           W_neigh1, b_neigh1, W_edge1, b_edge1):
    del x
    dst = edge_index[1]
    dst2 = dst.reshape(_ROWS, _IW)
    zsum = jnp.zeros((_RPT, EDIM), jnp.float32)
    ones_h = jnp.ones((_IW, EDIM), jnp.float32)
    out_tbl = _seg(dst2, edge_attr, zsum, ones_h)
    mean = _mean(out_tbl)

    def _pack_idx(v):
        v = jnp.pad(v, (0, NW * _CPW + (_NJ * 128 - _CPW) - NB))
        pos = ((jnp.arange(NW) * _CPW)[:, None, None]
               + (jnp.arange(_NJ) * 128)[None, :, None]
               + jnp.arange(128)[None, None, :])
        return v[pos]

    ms, md = _pair(mean, _pack_idx(edge_couples[:, 0]),
                   _pack_idx(edge_couples[:, 1]))

    wn = W_neigh1.T
    bn = b_neigh1.reshape(1, NDIM)
    wp = W_edge1[:, :NDIM].T
    wq = W_edge1[:, NDIM:].T
    be = b_edge1.reshape(1, NDIM)
    return _edge(ms, md, wn, bn, wp, wq, be)

# --- scband reference (transcript-rebuilt; emitter-appended) ---
"""Pipeline reference for scband-sage-3393024164201 (READ-ONLY COPY).

The authoritative reference and input builder live on the scoring server;
editing this copy changes nothing except your own understanding.
"""

import jax, jax.numpy as jnp
import numpy as np

N_NODES = 100000
N_EDGES = 3200000
NDIM = 128
EDIM_IN = 16
EDIM_OUT = 128
B = 100000


def setup_inputs(seed: int = 0) -> dict:
    key = jax.random.key(seed)
    ks = jax.random.split(key, 16)
    x = jax.random.normal(ks[0], (N_NODES, NDIM), dtype=jnp.float32)
    edge_index = jax.random.randint(ks[1], (2, N_EDGES), 0, N_NODES, dtype=jnp.int32)
    edge_attr = jax.random.normal(ks[2], (N_EDGES, EDIM_IN), dtype=jnp.float32)
    edge_couples = jax.random.randint(ks[3], (B, 2), 0, N_NODES, dtype=jnp.int32)
    # layer 0: fc_neigh Linear(EDIM_IN -> NDIM), fc_edge Linear(2*NDIM -> EDIM_IN)
    W_neigh0 = jax.random.normal(ks[4], (NDIM, EDIM_IN), dtype=jnp.float32) * 0.1
    b_neigh0 = jnp.zeros((NDIM,), dtype=jnp.float32)
    W_edge0 = jax.random.normal(ks[5], (EDIM_IN, 2 * NDIM), dtype=jnp.float32) * 0.05
    b_edge0 = jnp.zeros((EDIM_IN,), dtype=jnp.float32)
    # layer 1: fc_neigh Linear(EDIM_IN -> NDIM), fc_edge Linear(2*NDIM -> EDIM_OUT)
    W_neigh1 = jax.random.normal(ks[6], (NDIM, EDIM_IN), dtype=jnp.float32) * 0.1
    b_neigh1 = jnp.zeros((NDIM,), dtype=jnp.float32)
    W_edge1 = jax.random.normal(ks[7], (EDIM_OUT, 2 * NDIM), dtype=jnp.float32) * 0.05
    b_edge1 = jnp.zeros((EDIM_OUT,), dtype=jnp.float32)
    return {"x": x, "edge_index": edge_index, "edge_attr": edge_attr, "edge_couples": edge_couples,
            "W_neigh0": W_neigh0, "b_neigh0": b_neigh0, "W_edge0": W_edge0, "b_edge0": b_edge0,
            "W_neigh1": W_neigh1, "b_neigh1": b_neigh1, "W_edge1": W_edge1, "b_edge1": b_edge1}


def _sage_layer(x, edge_index, edge_attr, edge_couples, W_n, b_n, W_e, b_e):
    n_nodes = x.shape[0]
    dst = edge_index[1]
    # propagate: message = edge_attr, mean aggregation at dst nodes
    agg = jax.ops.segment_sum(edge_attr, dst, num_segments=n_nodes)
    cnt = jax.ops.segment_sum(jnp.ones((edge_attr.shape[0], 1), dtype=edge_attr.dtype), dst, num_segments=n_nodes)
    mean_msg = agg / jnp.maximum(cnt, 1.0)
    node_emb = jax.nn.relu(mean_msg @ W_n.T + b_n)
    src_n = edge_couples[:, 0]
    dst_n = edge_couples[:, 1]
    pair = jnp.concatenate([node_emb[src_n], node_emb[dst_n]], axis=1)
    edge_emb = pair @ W_e.T + b_e  # dropout p=0.0 -> identity
    return node_emb, edge_emb


def reference(x, edge_index, edge_attr, edge_couples,
              W_neigh0, b_neigh0, W_edge0, b_edge0,
              W_neigh1, b_neigh1, W_edge1, b_edge1):
    x1, _e0 = _sage_layer(x, edge_index, edge_attr, edge_couples, W_neigh0, b_neigh0, W_edge0, b_edge0)
    _x2, e1 = _sage_layer(x1, edge_index, edge_attr, edge_couples, W_neigh1, b_neigh1, W_edge1, b_edge1)
    return e1

if __name__ == "__main__":
    import jax
    _d = setup_inputs()
    print(jax.jit(kernel)(*tuple(_d.values())))

</pallas_src>

<mosaic_0001>
#map = affine_map<(d0, d1) -> (0, 0)>
#map1 = affine_map<(d0, d1) -> (0, 0, 0)>
module attributes {stable_mosaic.version = 14 : i64} {
  func.func @_pair_body(%arg0: i32, %arg1: i32, %arg2: memref<100000x16xf32, #tpu.memory_space<hbm>>, %arg3: memref<32x25x128xi32, #tpu.memory_space<hbm>>, %arg4: memref<32x25x128xi32, #tpu.memory_space<hbm>>, %arg5: memref<100000x16xf32, #tpu.memory_space<hbm>>, %arg6: memref<100000x16xf32, #tpu.memory_space<hbm>>, %arg7: memref<25x128xi32, #tpu.memory_space<vmem>>, %arg8: memref<25x128xi32, #tpu.memory_space<vmem>>, %arg9: memref<128x16xf32, #tpu.memory_space<vmem>>, %arg10: memref<128x16xf32, #tpu.memory_space<vmem>>, %arg11: memref<!tpu.dma_semaphore, #tpu.memory_space<semaphore_mem>>, %arg12: memref<!tpu.dma_semaphore, #tpu.memory_space<semaphore_mem>>) attributes {dimension_semantics = [#tpu.dimension_semantics<core_parallel>, #tpu.dimension_semantics<subcore_parallel>], iteration_bounds = array<i64: 2, 16>, scalar_prefetch = 0 : i64, scratch_operands = 6 : i64, tpu.core_type = #tpu.core_type<sc_vector_subcore>, window_params = [{transform_indices = #map}, {transform_indices = #map1}, {transform_indices = #map1}, {transform_indices = #map}, {transform_indices = #map}]} {
    %mul3A = arith.constant 16 : i32
    %mul3A_0 = arith.muli %arg0, %mul3A : i32
    %add3A = arith.addi %mul3A_0, %arg1 : i32
    "tpu.region"() ({
      %run_scoped3A = tpu.sem_alloc : memref<!tpu.dma_semaphore, #tpu.memory_space<semaphore_mem>>
      %dma_start3A = arith.constant 0 : i32
      %dma_start3A_10 = arith.constant 0 : i32
      %dma_start3A_11 = tpu.memref_slice %arg3[%add3A, %dma_start3A, %dma_start3A_10] : memref<32x25x128xi32, #tpu.memory_space<hbm>> -> memref<1x25x128xi32, #tpu.memory_space<hbm>>
      %dma_start3A_12 = tpu.memref_squeeze %dma_start3A_11 : memref<1x25x128xi32, #tpu.memory_space<hbm>> -> memref<25x128xi32, #tpu.memory_space<hbm>>
      %dma_start3A_13 = arith.constant 0 : i32
      %dma_start3A_14 = arith.constant 0 : i32
      %dma_start3A_15 = tpu.memref_slice %arg3[%add3A, %dma_start3A_13, %dma_start3A_14] : memref<32x25x128xi32, #tpu.memory_space<hbm>> -> memref<1x25x128xi32, #tpu.memory_space<hbm>>
      %dma_start3A_16 = tpu.memref_squeeze %dma_start3A_15 : memref<1x25x128xi32, #tpu.memory_space<hbm>> -> memref<25x128xi32, #tpu.memory_space<hbm>>
      tpu.enqueue_dma source(%dma_start3A_16 : memref<25x128xi32, #tpu.memory_space<hbm>>) target(%arg7 : memref<25x128xi32, #tpu.memory_space<vmem>>) target_semaphore(%run_scoped3A : memref<!tpu.dma_semaphore, #tpu.memory_space<semaphore_mem>>)
      %dma_wait3A = arith.constant 0 : i32
      %dma_wait3A_17 = arith.constant 0 : i32
      %dma_wait3A_18 = tpu.memref_slice %arg3[%add3A, %dma_wait3A, %dma_wait3A_17] : memref<32x25x128xi32, #tpu.memory_space<hbm>> -> memref<1x25x128xi32, #tpu.memory_space<hbm>>
      %dma_wait3A_19 = tpu.memref_squeeze %dma_wait3A_18 : memref<1x25x128xi32, #tpu.memory_space<hbm>> -> memref<25x128xi32, #tpu.memory_space<hbm>>
      %dma_wait3A_20 = arith.constant 0 : i32
      %dma_wait3A_21 = arith.constant 0 : i32
      %dma_wait3A_22 = tpu.memref_slice %arg3[%add3A, %dma_wait3A_20, %dma_wait3A_21] : memref<32x25x128xi32, #tpu.memory_space<hbm>> -> memref<1x25x128xi32, #tpu.memory_space<hbm>>
      %dma_wait3A_23 = tpu.memref_squeeze %dma_wait3A_22 : memref<1x25x128xi32, #tpu.memory_space<hbm>> -> memref<25x128xi32, #tpu.memory_space<hbm>>
      tpu.wait_dma2 semaphore(%run_scoped3A : memref<!tpu.dma_semaphore, #tpu.memory_space<semaphore_mem>>) src(%dma_wait3A_23 : memref<25x128xi32, #tpu.memory_space<hbm>>) dst(%arg7 : memref<25x128xi32, #tpu.memory_space<vmem>>)
      tpu.yield
    }) : () -> ()
    "tpu.region"() ({
      %run_scoped3A = tpu.sem_alloc : memref<!tpu.dma_semaphore, #tpu.memory_space<semaphore_mem>>
      %dma_start3A = arith.constant 0 : i32
      %dma_start3A_10 = arith.constant 0 : i32
      %dma_start3A_11 = tpu.memref_slice %arg4[%add3A, %dma_start3A, %dma_start3A_10] : memref<32x25x128xi32, #tpu.memory_space<hbm>> -> memref<1x25x128xi32, #tpu.memory_space<hbm>>
      %dma_start3A_12 = tpu.memref_squeeze %dma_start3A_11 : memref<1x25x128xi32, #tpu.memory_space<hbm>> -> memref<25x128xi32, #tpu.memory_space<hbm>>
      %dma_start3A_13 = arith.constant 0 : i32
      %dma_start3A_14 = arith.constant 0 : i32
      %dma_start3A_15 = tpu.memref_slice %arg4[%add3A, %dma_start3A_13, %dma_start3A_14] : memref<32x25x128xi32, #tpu.memory_space<hbm>> -> memref<1x25x128xi32, #tpu.memory_space<hbm>>
      %dma_start3A_16 = tpu.memref_squeeze %dma_start3A_15 : memref<1x25x128xi32, #tpu.memory_space<hbm>> -> memref<25x128xi32, #tpu.memory_space<hbm>>
      tpu.enqueue_dma source(%dma_start3A_16 : memref<25x128xi32, #tpu.memory_space<hbm>>) target(%arg8 : memref<25x128xi32, #tpu.memory_space<vmem>>) target_semaphore(%run_scoped3A : memref<!tpu.dma_semaphore, #tpu.memory_space<semaphore_mem>>)
      %dma_wait3A = arith.constant 0 : i32
      %dma_wait3A_17 = arith.constant 0 : i32
      %dma_wait3A_18 = tpu.memref_slice %arg4[%add3A, %dma_wait3A, %dma_wait3A_17] : memref<32x25x128xi32, #tpu.memory_space<hbm>> -> memref<1x25x128xi32, #tpu.memory_space<hbm>>
      %dma_wait3A_19 = tpu.memref_squeeze %dma_wait3A_18 : memref<1x25x128xi32, #tpu.memory_space<hbm>> -> memref<25x128xi32, #tpu.memory_space<hbm>>
      %dma_wait3A_20 = arith.constant 0 : i32
      %dma_wait3A_21 = arith.constant 0 : i32
      %dma_wait3A_22 = tpu.memref_slice %arg4[%add3A, %dma_wait3A_20, %dma_wait3A_21] : memref<32x25x128xi32, #tpu.memory_space<hbm>> -> memref<1x25x128xi32, #tpu.memory_space<hbm>>
      %dma_wait3A_23 = tpu.memref_squeeze %dma_wait3A_22 : memref<1x25x128xi32, #tpu.memory_space<hbm>> -> memref<25x128xi32, #tpu.memory_space<hbm>>
      tpu.wait_dma2 semaphore(%run_scoped3A : memref<!tpu.dma_semaphore, #tpu.memory_space<semaphore_mem>>) src(%dma_wait3A_23 : memref<25x128xi32, #tpu.memory_space<hbm>>) dst(%arg8 : memref<25x128xi32, #tpu.memory_space<vmem>>)
      tpu.yield
    }) : () -> ()
    %mul3A_1 = arith.constant 3128 : i32
    %mul3A_2 = arith.muli %add3A, %mul3A_1 : i32
    %eq3A = arith.constant 31 : i32
    %eq3A_3 = arith.cmpi eq, %add3A, %eq3A : i32
    %jit3A = arith.constant 23 : i32
    %jit3A_4 = arith.constant 24 : i32
    %select_n3A = arith.select %eq3A_3, %jit3A, %jit3A_4 : i32
    %scan3A = arith.constant 0 : i32
    %scan3A_5 = arith.constant 0 : i32
    %scan3A_6 = arith.constant 25 : i32
    %scan3A_7 = arith.addi %scan3A_5, %scan3A_6 : i32
    %scan3A_8 = arith.constant 1 : i32
    scf.for %scan3A_10 = %scan3A_5 to %scan3A_7 step %scan3A_8  : i32 {
      %dma_start3A = arith.constant 0 : i32
      %dma_start3A_11 = tpu.memref_slice %arg7[%scan3A_10, %dma_start3A] : memref<25x128xi32, #tpu.memory_space<vmem>> -> memref<1x128xi32, #tpu.memory_space<vmem>>
      %dma_start3A_12 = tpu.memref_squeeze %dma_start3A_11 : memref<1x128xi32, #tpu.memory_space<vmem>> -> memref<128xi32, #tpu.memory_space<vmem>>
      %dma_start3A_13 = arith.constant 0 : i32
      %dma_start3A_14 = arith.constant 0 : i32
      %dma_start3A_15 = tpu.memref_slice %arg2[%dma_start3A_13, %dma_start3A_14] : memref<100000x16xf32, #tpu.memory_space<hbm>> -> memref<100000x16xf32, #tpu.memory_space<hbm>>
      tpu.enqueue_indirect_dma source(%dma_start3A_15 : memref<100000x16xf32, #tpu.memory_space<hbm>>) target(%arg9 : memref<128x16xf32, #tpu.memory_space<vmem>>) offsets(%dma_start3A_12 : memref<128xi32, #tpu.memory_space<vmem>>) semaphore(%arg11 : memref<!tpu.dma_semaphore, #tpu.memory_space<semaphore_mem>>)
      %dma_start3A_16 = arith.constant 0 : i32
      %dma_start3A_17 = tpu.memref_slice %arg8[%scan3A_10, %dma_start3A_16] : memref<25x128xi32, #tpu.memory_space<vmem>> -> memref<1x128xi32, #tpu.memory_space<vmem>>
      %dma_start3A_18 = tpu.memref_squeeze %dma_start3A_17 : memref<1x128xi32, #tpu.memory_space<vmem>> -> memref<128xi32, #tpu.memory_space<vmem>>
      %dma_start3A_19 = arith.constant 0 : i32
      %dma_start3A_20 = arith.constant 0 : i32
      %dma_start3A_21 = tpu.memref_slice %arg2[%dma_start3A_19, %dma_start3A_20] : memref<100000x16xf32, #tpu.memory_space<hbm>> -> memref<100000x16xf32, #tpu.memory_space<hbm>>
      tpu.enqueue_indirect_dma source(%dma_start3A_21 : memref<100000x16xf32, #tpu.memory_space<hbm>>) target(%arg10 : memref<128x16xf32, #tpu.memory_space<vmem>>) offsets(%dma_start3A_18 : memref<128xi32, #tpu.memory_space<vmem>>) semaphore(%arg12 : memref<!tpu.dma_semaphore, #tpu.memory_space<semaphore_mem>>)
      %dma_wait3A = arith.constant 0 : i32
      %dma_wait3A_22 = tpu.memref_slice %arg7[%scan3A_10, %dma_wait3A] : memref<25x128xi32, #tpu.memory_space<vmem>> -> memref<1x128xi32, #tpu.memory_space<vmem>>
      %dma_wait3A_23 = tpu.memref_squeeze %dma_wait3A_22 : memref<1x128xi32, #tpu.memory_space<vmem>> -> memref<128xi32, #tpu.memory_space<vmem>>
      %dma_wait3A_24 = arith.constant 0 : i32
      %dma_wait3A_25 = arith.constant 0 : i32
      %dma_wait3A_26 = tpu.memref_slice %arg2[%dma_wait3A_24, %dma_wait3A_25] : memref<100000x16xf32, #tpu.memory_space<hbm>> -> memref<100000x16xf32, #tpu.memory_space<hbm>>
      tpu.wait_indirect_dma semaphore(%arg11 : memref<!tpu.dma_semaphore, #tpu.memory_space<semaphore_mem>>) src(%dma_wait3A_26 : memref<100000x16xf32, #tpu.memory_space<hbm>>) dst(%arg9 : memref<128x16xf32, #tpu.memory_space<vmem>>)
      %dma_wait3A_27 = arith.constant 0 : i32
      %dma_wait3A_28 = tpu.memref_slice %arg8[%scan3A_10, %dma_wait3A_27] : memref<25x128xi32, #tpu.memory_space<vmem>> -> memref<1x128xi32, #tpu.memory_space<vmem>>
      %dma_wait3A_29 = tpu.memref_squeeze %dma_wait3A_28 : memref<1x128xi32, #tpu.memory_space<vmem>> -> memref<128xi32, #tpu.memory_space<vmem>>
      %dma_wait3A_30 = arith.constant 0 : i32
      %dma_wait3A_31 = arith.constant 0 : i32
      %dma_wait3A_32 = tpu.memref_slice %arg2[%dma_wait3A_30, %dma_wait3A_31] : memref<100000x16xf32, #tpu.memory_space<hbm>> -> memref<100000x16xf32, #tpu.memory_space<hbm>>
      tpu.wait_indirect_dma semaphore(%arg12 : memref<!tpu.dma_semaphore, #tpu.memory_space<semaphore_mem>>) src(%dma_wait3A_32 : memref<100000x16xf32, #tpu.memory_space<hbm>>) dst(%arg10 : memref<128x16xf32, #tpu.memory_space<vmem>>)
      %lt3A = arith.cmpi slt, %scan3A_10, %select_n3A : i32
      %convert_element_type3A = arith.extui %lt3A : i1 to i32
      %cond3A = arith.constant 0 : i32
      %cond3A_33 = arith.cmpi ne, %convert_element_type3A, %cond3A : i32
      scf.if %cond3A_33 {
        %mul3A_44 = arith.constant 128 : i32
        %mul3A_45 = arith.muli %scan3A_10, %mul3A_44 : i32
        %add3A_46 = arith.addi %mul3A_2, %mul3A_45 : i32
        "tpu.region"() ({
          %run_scoped3A = tpu.sem_alloc : memref<!tpu.dma_semaphore, #tpu.memory_space<semaphore_mem>>
          %dma_start3A_50 = arith.constant 0 : i32
          %dma_start3A_51 = tpu.memref_slice %arg5[%add3A_46, %dma_start3A_50] : memref<100000x16xf32, #tpu.memory_space<hbm>> -> memref<128x16xf32, #tpu.memory_space<hbm>>
          %dma_start3A_52 = arith.constant 0 : i32
          %dma_start3A_53 = tpu.memref_slice %arg5[%add3A_46, %dma_start3A_52] : memref<100000x16xf32, #tpu.memory_space<hbm>> -> memref<128x16xf32, #tpu.memory_space<hbm>>
          tpu.enqueue_dma source(%arg9 : memref<128x16xf32, #tpu.memory_space<vmem>>) target(%dma_start3A_53 : memref<128x16xf32, #tpu.memory_space<hbm>>) target_semaphore(%run_scoped3A : memref<!tpu.dma_semaphore, #tpu.memory_space<semaphore_mem>>)
          %dma_wait3A_54 = arith.constant 0 : i32
          %dma_wait3A_55 = tpu.memref_slice %arg5[%add3A_46, %dma_wait3A_54] : memref<100000x16xf32, #tpu.memory_space<hbm>> -> memref<128x16xf32, #tpu.memory_space<hbm>>
          %dma_wait3A_56 = arith.constant 0 : i32
          %dma_wait3A_57 = tpu.memref_slice %arg5[%add3A_46, %dma_wait3A_56] : memref<100000x16xf32, #tpu.memory_space<hbm>> -> memref<128x16xf32, #tpu.memory_space<hbm>>
          tpu.wait_dma2 semaphore(%run_scoped3A : memref<!tpu.dma_semaphore, #tpu.memory_space<semaphore_mem>>) src(%arg9 : memref<128x16xf32, #tpu.memory_space<vmem>>) dst(%dma_wait3A_57 : memref<128x16xf32, #tpu.memory_space<hbm>>)
          tpu.yield
        }) : () -> ()
        %mul3A_47 = arith.constant 128 : i32
        %mul3A_48 = arith.muli %scan3A_10, %mul3A_47 : i32
        %add3A_49 = arith.addi %mul3A_2, %mul3A_48 : i32
        "tpu.region"() ({
          %run_scoped3A = tpu.sem_alloc : memref<!tpu.dma_semaphore, #tpu.memory_space<semaphore_mem>>
          %dma_start3A_50 = arith.constant 0 : i32
          %dma_start3A_51 = tpu.memref_slice %arg6[%add3A_49, %dma_start3A_50] : memref<100000x16xf32, #tpu.memory_space<hbm>> -> memref<128x16xf32, #tpu.memory_space<hbm>>
          %dma_start3A_52 = arith.constant 0 : i32
          %dma_start3A_53 = tpu.memref_slice %arg6[%add3A_49, %dma_start3A_52] : memref<100000x16xf32, #tpu.memory_space<hbm>> -> memref<128x16xf32, #tpu.memory_space<hbm>>
          tpu.enqueue_dma source(%arg10 : memref<128x16xf32, #tpu.memory_space<vmem>>) target(%dma_start3A_53 : memref<128x16xf32, #tpu.memory_space<hbm>>) target_semaphore(%run_scoped3A : memref<!tpu.dma_semaphore, #tpu.memory_space<semaphore_mem>>)
          %dma_wait3A_54 = arith.constant 0 : i32
          %dma_wait3A_55 = tpu.memref_slice %arg6[%add3A_49, %dma_wait3A_54] : memref<100000x16xf32, #tpu.memory_space<hbm>> -> memref<128x16xf32, #tpu.memory_space<hbm>>
          %dma_wait3A_56 = arith.constant 0 : i32
          %dma_wait3A_57 = tpu.memref_slice %arg6[%add3A_49, %dma_wait3A_56] : memref<100000x16xf32, #tpu.memory_space<hbm>> -> memref<128x16xf32, #tpu.memory_space<hbm>>
          tpu.wait_dma2 semaphore(%run_scoped3A : memref<!tpu.dma_semaphore, #tpu.memory_space<semaphore_mem>>) src(%arg10 : memref<128x16xf32, #tpu.memory_space<vmem>>) dst(%dma_wait3A_57 : memref<128x16xf32, #tpu.memory_space<hbm>>)
          tpu.yield
        }) : () -> ()
      } else {
      }
      %eq3A_34 = arith.cmpi eq, %scan3A_10, %select_n3A : i32
      %not3A = arith.constant true
      %not3A_35 = arith.xori %eq3A_3, %not3A : i1
      %and3A = arith.andi %eq3A_34, %not3A_35 : i1
      %convert_element_type3A_36 = arith.extui %and3A : i1 to i32
      %cond3A_37 = arith.constant 0 : i32
      %cond3A_38 = arith.cmpi ne, %convert_element_type3A_36, %cond3A_37 : i32
      scf.if %cond3A_38 {
        %mul3A_44 = arith.constant 128 : i32
        %mul3A_45 = arith.muli %scan3A_10, %mul3A_44 : i32
        %add3A_46 = arith.addi %mul3A_2, %mul3A_45 : i32
        "tpu.region"() ({
          %run_scoped3A = tpu.sem_alloc : memref<!tpu.dma_semaphore, #tpu.memory_space<semaphore_mem>>
          %dma_start3A_50 = arith.constant 0 : i32
          %dma_start3A_51 = arith.constant 0 : i32
          %dma_start3A_52 = tpu.memref_slice %arg9[%dma_start3A_50, %dma_start3A_51] : memref<128x16xf32, #tpu.memory_space<vmem>> -> memref<56x16xf32, #tpu.memory_space<vmem>>
          %dma_start3A_53 = arith.constant 0 : i32
          %dma_start3A_54 = tpu.memref_slice %arg5[%add3A_46, %dma_start3A_53] : memref<100000x16xf32, #tpu.memory_space<hbm>> -> memref<56x16xf32, #tpu.memory_space<hbm>>
          %dma_start3A_55 = arith.constant 0 : i32
          %dma_start3A_56 = tpu.memref_slice %arg5[%add3A_46, %dma_start3A_55] : memref<100000x16xf32, #tpu.memory_space<hbm>> -> memref<56x16xf32, #tpu.memory_space<hbm>>
          %dma_start3A_57 = arith.constant 0 : i32
          %dma_start3A_58 = arith.constant 0 : i32
          %dma_start3A_59 = tpu.memref_slice %arg9[%dma_start3A_57, %dma_start3A_58] : memref<128x16xf32, #tpu.memory_space<vmem>> -> memref<56x16xf32, #tpu.memory_space<vmem>>
          tpu.enqueue_dma source(%dma_start3A_59 : memref<56x16xf32, #tpu.memory_space<vmem>>) target(%dma_start3A_56 : memref<56x16xf32, #tpu.memory_space<hbm>>) target_semaphore(%run_scoped3A : memref<!tpu.dma_semaphore, #tpu.memory_space<semaphore_mem>>)
          %dma_wait3A_60 = arith.constant 0 : i32
          %dma_wait3A_61 = arith.constant 0 : i32
          %dma_wait3A_62 = tpu.memref_slice %arg9[%dma_wait3A_60, %dma_wait3A_61] : memref<128x16xf32, #tpu.memory_space<vmem>> -> memref<56x16xf32, #tpu.memory_space<vmem>>
          %dma_wait3A_63 = arith.constant 0 : i32
          %dma_wait3A_64 = tpu.memref_slice %arg5[%add3A_46, %dma_wait3A_63] : memref<100000x16xf32, #tpu.memory_space<hbm>> -> memref<56x16xf32, #tpu.memory_space<hbm>>
          %dma_wait3A_65 = arith.constant 0 : i32
          %dma_wait3A_66 = tpu.memref_slice %arg5[%add3A_46, %dma_wait3A_65] : memref<100000x16xf32, #tpu.memory_space<hbm>> -> memref<56x16xf32, #tpu.memory_space<hbm>>
          %dma_wait3A_67 = arith.constant 0 : i32
          %dma_wait3A_68 = arith.constant 0 : i32
          %dma_wait3A_69 = tpu.memref_slice %arg9[%dma_wait3A_67, %dma_wait3A_68] : memref<128x16xf32, #tpu.memory_space<vmem>> -> memref<56x16xf32, #tpu.memory_space<vmem>>
          tpu.wait_dma2 semaphore(%run_scoped3A : memref<!tpu.dma_semaphore, #tpu.memory_space<semaphore_mem>>) src(%dma_wait3A_69 : memref<56x16xf32, #tpu.memory_space<vmem>>) dst(%dma_wait3A_66 : memref<56x16xf32, #tpu.memory_space<hbm>>)
          tpu.yield
        }) : () -> ()
        %mul3A_47 = arith.constant 128 : i32
        %mul3A_48 = arith.muli %scan3A_10, %mul3A_47 : i32
        %add3A_49 = arith.addi %mul3A_2, %mul3A_48 : i32
        "tpu.region"() ({
          %run_scoped3A = tpu.sem_alloc : memref<!tpu.dma_semaphore, #tpu.memory_space<semaphore_mem>>
          %dma_start3A_50 = arith.constant 0 : i32
          %dma_start3A_51 = arith.constant 0 : i32
          %dma_start3A_52 = tpu.memref_slice %arg10[%dma_start3A_50, %dma_start3A_51] : memref<128x16xf32, #tpu.memory_space<vmem>> -> memref<56x16xf32, #tpu.memory_space<vmem>>
          %dma_start3A_53 = arith.constant 0 : i32
          %dma_start3A_54 = tpu.memref_slice %arg6[%add3A_49, %dma_start3A_53] : memref<100000x16xf32, #tpu.memory_space<hbm>> -> memref<56x16xf32, #tpu.memory_space<hbm>>
          %dma_start3A_55 = arith.constant 0 : i32
          %dma_start3A_56 = tpu.memref_slice %arg6[%add3A_49, %dma_start3A_55] : memref<100000x16xf32, #tpu.memory_space<hbm>> -> memref<56x16xf32, #tpu.memory_space<hbm>>
          %dma_start3A_57 = arith.constant 0 : i32
          %dma_start3A_58 = arith.constant 0 : i32
          %dma_start3A_59 = tpu.memref_slice %arg10[%dma_start3A_57, %dma_start3A_58] : memref<128x16xf32, #tpu.memory_space<vmem>> -> memref<56x16xf32, #tpu.memory_space<vmem>>
          tpu.enqueue_dma source(%dma_start3A_59 : memref<56x16xf32, #tpu.memory_space<vmem>>) target(%dma_start3A_56 : memref<56x16xf32, #tpu.memory_space<hbm>>) target_semaphore(%run_scoped3A : memref<!tpu.dma_semaphore, #tpu.memory_space<semaphore_mem>>)
          %dma_wait3A_60 = arith.constant 0 : i32
          %dma_wait3A_61 = arith.constant 0 : i32
          %dma_wait3A_62 = tpu.memref_slice %arg10[%dma_wait3A_60, %dma_wait3A_61] : memref<128x16xf32, #tpu.memory_space<vmem>> -> memref<56x16xf32, #tpu.memory_space<vmem>>
          %dma_wait3A_63 = arith.constant 0 : i32
          %dma_wait3A_64 = tpu.memref_slice %arg6[%add3A_49, %dma_wait3A_63] : memref<100000x16xf32, #tpu.memory_space<hbm>> -> memref<56x16xf32, #tpu.memory_space<hbm>>
          %dma_wait3A_65 = arith.constant 0 : i32
          %dma_wait3A_66 = tpu.memref_slice %arg6[%add3A_49, %dma_wait3A_65] : memref<100000x16xf32, #tpu.memory_space<hbm>> -> memref<56x16xf32, #tpu.memory_space<hbm>>
          %dma_wait3A_67 = arith.constant 0 : i32
          %dma_wait3A_68 = arith.constant 0 : i32
          %dma_wait3A_69 = tpu.memref_slice %arg10[%dma_wait3A_67, %dma_wait3A_68] : memref<128x16xf32, #tpu.memory_space<vmem>> -> memref<56x16xf32, #tpu.memory_space<vmem>>
          tpu.wait_dma2 semaphore(%run_scoped3A : memref<!tpu.dma_semaphore, #tpu.memory_space<semaphore_mem>>) src(%dma_wait3A_69 : memref<56x16xf32, #tpu.memory_space<vmem>>) dst(%dma_wait3A_66 : memref<56x16xf32, #tpu.memory_space<hbm>>)
          tpu.yield
        }) : () -> ()
      } else {
      }
      %eq3A_39 = arith.cmpi eq, %scan3A_10, %select_n3A : i32
      %and3A_40 = arith.andi %eq3A_39, %eq3A_3 : i1
      %convert_element_type3A_41 = arith.extui %and3A_40 : i1 to i32
      %cond3A_42 = arith.constant 0 : i32
      %cond3A_43 = arith.cmpi ne, %convert_element_type3A_41, %cond3A_42 : i32
      scf.if %cond3A_43 {
        %mul3A_44 = arith.constant 128 : i32
        %mul3A_45 = arith.muli %scan3A_10, %mul3A_44 : i32
        %add3A_46 = arith.addi %mul3A_2, %mul3A_45 : i32
        "tpu.region"() ({
          %run_scoped3A = tpu.sem_alloc : memref<!tpu.dma_semaphore, #tpu.memory_space<semaphore_mem>>
          %dma_start3A_50 = arith.constant 0 : i32
          %dma_start3A_51 = arith.constant 0 : i32
          %dma_start3A_52 = tpu.memref_slice %arg9[%dma_start3A_50, %dma_start3A_51] : memref<128x16xf32, #tpu.memory_space<vmem>> -> memref<88x16xf32, #tpu.memory_space<vmem>>
          %dma_start3A_53 = arith.constant 0 : i32
          %dma_start3A_54 = tpu.memref_slice %arg5[%add3A_46, %dma_start3A_53] : memref<100000x16xf32, #tpu.memory_space<hbm>> -> memref<88x16xf32, #tpu.memory_space<hbm>>
          %dma_start3A_55 = arith.constant 0 : i32
          %dma_start3A_56 = tpu.memref_slice %arg5[%add3A_46, %dma_start3A_55] : memref<100000x16xf32, #tpu.memory_space<hbm>> -> memref<88x16xf32, #tpu.memory_space<hbm>>
          %dma_start3A_57 = arith.constant 0 : i32
          %dma_start3A_58 = arith.constant 0 : i32
          %dma_start3A_59 = tpu.memref_slice %arg9[%dma_start3A_57, %dma_start3A_58] : memref<128x16xf32, #tpu.memory_space<vmem>> -> memref<88x16xf32, #tpu.memory_space<vmem>>
          tpu.enqueue_dma source(%dma_start3A_59 : memref<88x16xf32, #tpu.memory_space<vmem>>) target(%dma_start3A_56 : memref<88x16xf32, #tpu.memory_space<hbm>>) target_semaphore(%run_scoped3A : memref<!tpu.dma_semaphore, #tpu.memory_space<semaphore_mem>>)
          %dma_wait3A_60 = arith.constant 0 : i32
          %dma_wait3A_61 = arith.constant 0 : i32
          %dma_wait3A_62 = tpu.memref_slice %arg9[%dma_wait3A_60, %dma_wait3A_61] : memref<128x16xf32, #tpu.memory_space<vmem>> -> memref<88x16xf32, #tpu.memory_space<vmem>>
          %dma_wait3A_63 = arith.constant 0 : i32
          %dma_wait3A_64 = tpu.memref_slice %arg5[%add3A_46, %dma_wait3A_63] : memref<100000x16xf32, #tpu.memory_space<hbm>> -> memref<88x16xf32, #tpu.memory_space<hbm>>
          %dma_wait3A_65 = arith.constant 0 : i32
          %dma_wait3A_66 = tpu.memref_slice %arg5[%add3A_46, %dma_wait3A_65] : memref<100000x16xf32, #tpu.memory_space<hbm>> -> memref<88x16xf32, #tpu.memory_space<hbm>>
          %dma_wait3A_67 = arith.constant 0 : i32
          %dma_wait3A_68 = arith.constant 0 : i32
          %dma_wait3A_69 = tpu.memref_slice %arg9[%dma_wait3A_67, %dma_wait3A_68] : memref<128x16xf32, #tpu.memory_space<vmem>> -> memref<88x16xf32, #tpu.memory_space<vmem>>
          tpu.wait_dma2 semaphore(%run_scoped3A : memref<!tpu.dma_semaphore, #tpu.memory_space<semaphore_mem>>) src(%dma_wait3A_69 : memref<88x16xf32, #tpu.memory_space<vmem>>) dst(%dma_wait3A_66 : memref<88x16xf32, #tpu.memory_space<hbm>>)
          tpu.yield
        }) : () -> ()
        %mul3A_47 = arith.constant 128 : i32
        %mul3A_48 = arith.muli %scan3A_10, %mul3A_47 : i32
        %add3A_49 = arith.addi %mul3A_2, %mul3A_48 : i32
        "tpu.region"() ({
          %run_scoped3A = tpu.sem_alloc : memref<!tpu.dma_semaphore, #tpu.memory_space<semaphore_mem>>
          %dma_start3A_50 = arith.constant 0 : i32
          %dma_start3A_51 = arith.constant 0 : i32
          %dma_start3A_52 = tpu.memref_slice %arg10[%dma_start3A_50, %dma_start3A_51] : memref<128x16xf32, #tpu.memory_space<vmem>> -> memref<88x16xf32, #tpu.memory_space<vmem>>
          %dma_start3A_53 = arith.constant 0 : i32
          %dma_start3A_54 = tpu.memref_slice %arg6[%add3A_49, %dma_start3A_53] : memref<100000x16xf32, #tpu.memory_space<hbm>> -> memref<88x16xf32, #tpu.memory_space<hbm>>
          %dma_start3A_55 = arith.constant 0 : i32
          %dma_start3A_56 = tpu.memref_slice %arg6[%add3A_49, %dma_start3A_55] : memref<100000x16xf32, #tpu.memory_space<hbm>> -> memref<88x16xf32, #tpu.memory_space<hbm>>
          %dma_start3A_57 = arith.constant 0 : i32
          %dma_start3A_58 = arith.constant 0 : i32
          %dma_start3A_59 = tpu.memref_slice %arg10[%dma_start3A_57, %dma_start3A_58] : memref<128x16xf32, #tpu.memory_space<vmem>> -> memref<88x16xf32, #tpu.memory_space<vmem>>
          tpu.enqueue_dma source(%dma_start3A_59 : memref<88x16xf32, #tpu.memory_space<vmem>>) target(%dma_start3A_56 : memref<88x16xf32, #tpu.memory_space<hbm>>) target_semaphore(%run_scoped3A : memref<!tpu.dma_semaphore, #tpu.memory_space<semaphore_mem>>)
          %dma_wait3A_60 = arith.constant 0 : i32
          %dma_wait3A_61 = arith.constant 0 : i32
          %dma_wait3A_62 = tpu.memref_slice %arg10[%dma_wait3A_60, %dma_wait3A_61] : memref<128x16xf32, #tpu.memory_space<vmem>> -> memref<88x16xf32, #tpu.memory_space<vmem>>
          %dma_wait3A_63 = arith.constant 0 : i32
          %dma_wait3A_64 = tpu.memref_slice %arg6[%add3A_49, %dma_wait3A_63] : memref<100000x16xf32, #tpu.memory_space<hbm>> -> memref<88x16xf32, #tpu.memory_space<hbm>>
          %dma_wait3A_65 = arith.constant 0 : i32
          %dma_wait3A_66 = tpu.memref_slice %arg6[%add3A_49, %dma_wait3A_65] : memref<100000x16xf32, #tpu.memory_space<hbm>> -> memref<88x16xf32, #tpu.memory_space<hbm>>
          %dma_wait3A_67 = arith.constant 0 : i32
          %dma_wait3A_68 = arith.constant 0 : i32
          %dma_wait3A_69 = tpu.memref_slice %arg10[%dma_wait3A_67, %dma_wait3A_68] : memref<128x16xf32, #tpu.memory_space<vmem>> -> memref<88x16xf32, #tpu.memory_space<vmem>>
          tpu.wait_dma2 semaphore(%run_scoped3A : memref<!tpu.dma_semaphore, #tpu.memory_space<semaphore_mem>>) src(%dma_wait3A_69 : memref<88x16xf32, #tpu.memory_space<vmem>>) dst(%dma_wait3A_66 : memref<88x16xf32, #tpu.memory_space<hbm>>)
          tpu.yield
        }) : () -> ()
      } else {
      }
    }
    %scan3A_9 = arith.constant 25 : i32
    return
  }
}

#map = affine_map<(d0, d1) -> (0, 0)>
#map1 = affine_map<(d0, d1) -> (0, 0, 0)>
module attributes {stable_mosaic.version = 14 : i64} {
  func.func @_seg_body(%arg0: i32, %arg1: i32, %arg2: memref<25600x125xi32, #tpu.memory_space<hbm>>, %arg3: memref<3200000x16xf32, #tpu.memory_space<hbm>>, %arg4: memref<6256x16xf32, #tpu.memory_space<hbm>>, %arg5: memref<125x16xf32, #tpu.memory_space<hbm>>, %arg6: memref<2x100000x16xf32, #tpu.memory_space<hbm>>, %arg7: memref<100000x16xf32, #tpu.memory_space<vmem_shared>>, %arg8: memref<4x125xi32, #tpu.memory_space<vmem>>, %arg9: memref<500x16xf32, #tpu.memory_space<vmem>>, %arg10: memref<125x16xf32, #tpu.memory_space<vmem>>, %arg11: memref<4x125xi32, #tpu.memory_space<vmem>>, %arg12: memref<500x16xf32, #tpu.memory_space<vmem>>, %arg13: memref<!tpu.dma_semaphore, #tpu.memory_space<semaphore_mem>>, %arg14: memref<!tpu.dma_semaphore, #tpu.memory_space<semaphore_mem>>, %arg15: memref<!tpu.dma_semaphore, #tpu.memory_space<semaphore_mem>>, %arg16: memref<!tpu.dma_semaphore, #tpu.memory_space<semaphore_mem>>) attributes {dimension_semantics = [#tpu.dimension_semantics<core_parallel>, #tpu.dimension_semantics<subcore_parallel>], iteration_bounds = array<i64: 2, 16>, scalar_prefetch = 0 : i64, scratch_operands = 10 : i64, tpu.core_type = #tpu.core_type<sc_vector_subcore>, window_params = [{transform_indices = #map}, {transform_indices = #map}, {transform_indices = #map}, {transform_indices = #map}, {transform_indices = #map1}]} {
    %lt3A = arith.constant 15 : i32
    %lt3A_0 = arith.cmpi slt, %arg1, %lt3A : i32
    %convert_element_type3A = arith.extui %lt3A_0 : i1 to i32
    %cond3A = arith.constant 0 : i32
    %cond3A_1 = arith.cmpi ne, %convert_element_type3A, %cond3A : i32
    scf.if %cond3A_1 {
      %mul3A_28 = arith.constant 6256 : i32
      %mul3A_29 = arith.muli %arg1, %mul3A_28 : i32
      "tpu.region"() ({
        %run_scoped3A = tpu.sem_alloc : memref<!tpu.dma_semaphore, #tpu.memory_space<semaphore_mem>>
        %dma_start3A = arith.constant 0 : i32
        %dma_start3A_30 = tpu.memref_slice %arg7[%mul3A_29, %dma_start3A] : memref<100000x16xf32, #tpu.memory_space<vmem_shared>> -> memref<6256x16xf32, #tpu.memory_space<vmem_shared>>
        tpu.enqueue_dma source(%arg4 : memref<6256x16xf32, #tpu.memory_space<hbm>>) target(%dma_start3A_30 : memref<6256x16xf32, #tpu.memory_space<vmem_shared>>) target_semaphore(%run_scoped3A : memref<!tpu.dma_semaphore, #tpu.memory_space<semaphore_mem>>)
        %dma_wait3A = arith.constant 0 : i32
        %dma_wait3A_31 = tpu.memref_slice %arg7[%mul3A_29, %dma_wait3A] : memref<100000x16xf32, #tpu.memory_space<vmem_shared>> -> memref<6256x16xf32, #tpu.memory_space<vmem_shared>>
        tpu.wait_dma2 semaphore(%run_scoped3A : memref<!tpu.dma_semaphore, #tpu.memory_space<semaphore_mem>>) src(%arg4 : memref<6256x16xf32, #tpu.memory_space<hbm>>) dst(%dma_wait3A_31 : memref<6256x16xf32, #tpu.memory_space<vmem_shared>>)
        tpu.yield
      }) : () -> ()
    } else {
    }
    %eq3A = arith.constant 15 : i32
    %eq3A_2 = arith.cmpi eq, %arg1, %eq3A : i32
    %convert_element_type3A_3 = arith.extui %eq3A_2 : i1 to i32
    %cond3A_4 = arith.constant 0 : i32
    %cond3A_5 = arith.cmpi ne, %convert_element_type3A_3, %cond3A_4 : i32
    scf.if %cond3A_5 {
      %mul3A_28 = arith.constant 6256 : i32
      %mul3A_29 = arith.muli %arg1, %mul3A_28 : i32
      "tpu.region"() ({
        %run_scoped3A = tpu.sem_alloc : memref<!tpu.dma_semaphore, #tpu.memory_space<semaphore_mem>>
        %dma_start3A = arith.constant 0 : i32
        %dma_start3A_30 = tpu.memref_slice %arg7[%mul3A_29, %dma_start3A] : memref<100000x16xf32, #tpu.memory_space<vmem_shared>> -> memref<6160x16xf32, #tpu.memory_space<vmem_shared>>
        %dma_start3A_31 = arith.constant 0 : i32
        %dma_start3A_32 = arith.constant 0 : i32
        %dma_start3A_33 = tpu.memref_slice %arg4[%dma_start3A_31, %dma_start3A_32] : memref<6256x16xf32, #tpu.memory_space<hbm>> -> memref<6160x16xf32, #tpu.memory_space<hbm>>
        tpu.enqueue_dma source(%dma_start3A_33 : memref<6160x16xf32, #tpu.memory_space<hbm>>) target(%dma_start3A_30 : memref<6160x16xf32, #tpu.memory_space<vmem_shared>>) target_semaphore(%run_scoped3A : memref<!tpu.dma_semaphore, #tpu.memory_space<semaphore_mem>>)
        %dma_wait3A = arith.constant 0 : i32
        %dma_wait3A_34 = tpu.memref_slice %arg7[%mul3A_29, %dma_wait3A] : memref<100000x16xf32, #tpu.memory_space<vmem_shared>> -> memref<6160x16xf32, #tpu.memory_space<vmem_shared>>
        %dma_wait3A_35 = arith.constant 0 : i32
        %dma_wait3A_36 = arith.constant 0 : i32
        %dma_wait3A_37 = tpu.memref_slice %arg4[%dma_wait3A_35, %dma_wait3A_36] : memref<6256x16xf32, #tpu.memory_space<hbm>> -> memref<6160x16xf32, #tpu.memory_space<hbm>>
        tpu.wait_dma2 semaphore(%run_scoped3A : memref<!tpu.dma_semaphore, #tpu.memory_space<semaphore_mem>>) src(%dma_wait3A_37 : memref<6160x16xf32, #tpu.memory_space<hbm>>) dst(%dma_wait3A_34 : memref<6160x16xf32, #tpu.memory_space<vmem_shared>>)
        tpu.yield
      }) : () -> ()
    } else {
    }
    "tpu.region"() ({
      %run_scoped3A = tpu.sem_alloc : memref<!tpu.dma_semaphore, #tpu.memory_space<semaphore_mem>>
      tpu.enqueue_dma source(%arg5 : memref<125x16xf32, #tpu.memory_space<hbm>>) target(%arg10 : memref<125x16xf32, #tpu.memory_space<vmem>>) target_semaphore(%run_scoped3A : memref<!tpu.dma_semaphore, #tpu.memory_space<semaphore_mem>>)
      tpu.wait_dma2 semaphore(%run_scoped3A : memref<!tpu.dma_semaphore, #tpu.memory_space<semaphore_mem>>) src(%arg5 : memref<125x16xf32, #tpu.memory_space<hbm>>) dst(%arg10 : memref<125x16xf32, #tpu.memory_space<vmem>>)
      tpu.yield
    }) : () -> ()
    %barrier3A = arith.constant 0 : index
    tpu.barrier barrier_id(%barrier3A)
    %mul3A = arith.constant 1600 : i32
    %mul3A_6 = arith.muli %arg1, %mul3A : i32
    %eq3A_7 = arith.constant 0 : i32
    %eq3A_8 = arith.cmpi eq, %arg0, %eq3A_7 : i32
    %convert_element_type3A_9 = arith.extui %eq3A_8 : i1 to i32
    %cond3A_10 = arith.constant 0 : i32
    %cond3A_11 = arith.cmpi ne, %convert_element_type3A_9, %cond3A_10 : i32
    scf.if %cond3A_11 {
      %dma_start3A = arith.constant 0 : i32
      %dma_start3A_28 = tpu.memref_slice %arg2[%mul3A_6, %dma_start3A] : memref<25600x125xi32, #tpu.memory_space<hbm>> -> memref<4x125xi32, #tpu.memory_space<hbm>>
      %dma_start3A_29 = arith.constant 0 : i32
      %dma_start3A_30 = tpu.memref_slice %arg2[%mul3A_6, %dma_start3A_29] : memref<25600x125xi32, #tpu.memory_space<hbm>> -> memref<4x125xi32, #tpu.memory_space<hbm>>
      tpu.enqueue_dma source(%dma_start3A_30 : memref<4x125xi32, #tpu.memory_space<hbm>>) target(%arg8 : memref<4x125xi32, #tpu.memory_space<vmem>>) target_semaphore(%arg13 : memref<!tpu.dma_semaphore, #tpu.memory_space<semaphore_mem>>)
      %mul3A_31 = arith.constant 125 : i32
      %mul3A_32 = arith.muli %mul3A_6, %mul3A_31 : i32
      %dma_start3A_33 = arith.constant 0 : i32
      %dma_start3A_34 = tpu.memref_slice %arg3[%mul3A_32, %dma_start3A_33] : memref<3200000x16xf32, #tpu.memory_space<hbm>> -> memref<500x16xf32, #tpu.memory_space<hbm>>
      %dma_start3A_35 = arith.constant 0 : i32
      %dma_start3A_36 = tpu.memref_slice %arg3[%mul3A_32, %dma_start3A_35] : memref<3200000x16xf32, #tpu.memory_space<hbm>> -> memref<500x16xf32, #tpu.memory_space<hbm>>
      tpu.enqueue_dma source(%dma_start3A_36 : memref<500x16xf32, #tpu.memory_space<hbm>>) target(%arg9 : memref<500x16xf32, #tpu.memory_space<vmem>>) target_semaphore(%arg14 : memref<!tpu.dma_semaphore, #tpu.memory_space<semaphore_mem>>)
      %scan3A = arith.constant 0 : i32
      %scan3A_37 = arith.constant 0 : i32
      %scan3A_38 = arith.constant 200 : i32
      %scan3A_39 = arith.addi %scan3A_37, %scan3A_38 : i32
      %scan3A_40 = arith.constant 1 : i32
      scf.for %scan3A_42 = %scan3A_37 to %scan3A_39 step %scan3A_40  : i32 {
        %mul3A_43 = arith.constant 2 : i32
        %mul3A_44 = arith.muli %scan3A_42, %mul3A_43 : i32
        %mul3A_45 = arith.constant 4 : i32
        %mul3A_46 = arith.muli %mul3A_44, %mul3A_45 : i32
        %add3A = arith.addi %mul3A_6, %mul3A_46 : i32
        %add3A_47 = arith.constant 4 : i32
        %add3A_48 = arith.addi %add3A, %add3A_47 : i32
        %add3A_49 = arith.constant 4 : i32
        %add3A_50 = arith.addi %add3A_48, %add3A_49 : i32
        %dma_wait3A = arith.constant 0 : i32
        %dma_wait3A_51 = tpu.memref_slice %arg2[%add3A, %dma_wait3A] : memref<25600x125xi32, #tpu.memory_space<hbm>> -> memref<4x125xi32, #tpu.memory_space<hbm>>
        %dma_wait3A_52 = arith.constant 0 : i32
        %dma_wait3A_53 = tpu.memref_slice %arg2[%add3A, %dma_wait3A_52] : memref<25600x125xi32, #tpu.memory_space<hbm>> -> memref<4x125xi32, #tpu.memory_space<hbm>>
        tpu.wait_dma2 semaphore(%arg13 : memref<!tpu.dma_semaphore, #tpu.memory_space<semaphore_mem>>) src(%dma_wait3A_53 : memref<4x125xi32, #tpu.memory_space<hbm>>) dst(%arg8 : memref<4x125xi32, #tpu.memory_space<vmem>>)
        %mul3A_54 = arith.constant 125 : i32
        %mul3A_55 = arith.muli %add3A, %mul3A_54 : i32
        %dma_wait3A_56 = arith.constant 0 : i32
        %dma_wait3A_57 = tpu.memref_slice %arg3[%mul3A_55, %dma_wait3A_56] : memref<3200000x16xf32, #tpu.memory_space<hbm>> -> memref<500x16xf32, #tpu.memory_space<hbm>>
        %dma_wait3A_58 = arith.constant 0 : i32
        %dma_wait3A_59 = tpu.memref_slice %arg3[%mul3A_55, %dma_wait3A_58] : memref<3200000x16xf32, #tpu.memory_space<hbm>> -> memref<500x16xf32, #tpu.memory_space<hbm>>
        tpu.wait_dma2 semaphore(%arg14 : memref<!tpu.dma_semaphore, #tpu.memory_space<semaphore_mem>>) src(%dma_wait3A_59 : memref<500x16xf32, #tpu.memory_space<hbm>>) dst(%arg9 : memref<500x16xf32, #tpu.memory_space<vmem>>)
        %dma_start3A_60 = arith.constant 0 : i32
        %dma_start3A_61 = tpu.memref_slice %arg2[%add3A_48, %dma_start3A_60] : memref<25600x125xi32, #tpu.memory_space<hbm>> -> memref<4x125xi32, #tpu.memory_space<hbm>>
        %dma_start3A_62 = arith.constant 0 : i32
        %dma_start3A_63 = tpu.memref_slice %arg2[%add3A_48, %dma_start3A_62] : memref<25600x125xi32, #tpu.memory_space<hbm>> -> memref<4x125xi32, #tpu.memory_space<hbm>>
        tpu.enqueue_dma source(%dma_start3A_63 : memref<4x125xi32, #tpu.memory_space<hbm>>) target(%arg11 : memref<4x125xi32, #tpu.memory_space<vmem>>) target_semaphore(%arg15 : memref<!tpu.dma_semaphore, #tpu.memory_space<semaphore_mem>>)
        %mul3A_64 = arith.constant 125 : i32
        %mul3A_65 = arith.muli %add3A_48, %mul3A_64 : i32
        %dma_start3A_66 = arith.constant 0 : i32
        %dma_start3A_67 = tpu.memref_slice %arg3[%mul3A_65, %dma_start3A_66] : memref<3200000x16xf32, #tpu.memory_space<hbm>> -> memref<500x16xf32, #tpu.memory_space<hbm>>
        %dma_start3A_68 = arith.constant 0 : i32
        %dma_start3A_69 = tpu.memref_slice %arg3[%mul3A_65, %dma_start3A_68] : memref<3200000x16xf32, #tpu.memory_space<hbm>> -> memref<500x16xf32, #tpu.memory_space<hbm>>
        tpu.enqueue_dma source(%dma_start3A_69 : memref<500x16xf32, #tpu.memory_space<hbm>>) target(%arg12 : memref<500x16xf32, #tpu.memory_space<vmem>>) target_semaphore(%arg16 : memref<!tpu.dma_semaphore, #tpu.memory_space<semaphore_mem>>)
        %run_scoped3A = arith.constant 0 : i32
        "tpu.region"() ({
          %run_scoped3A_92 = tpu.sem_alloc : memref<!tpu.dma_semaphore, #tpu.memory_space<semaphore_mem>>
          %dma_start3A_93 = arith.constant 0 : i32
          %dma_start3A_94 = arith.constant 0 : i32
          %dma_start3A_95 = tpu.memref_slice %arg9[%dma_start3A_93, %dma_start3A_94] : memref<500x16xf32, #tpu.memory_space<vmem>> -> memref<125x16xf32, #tpu.memory_space<vmem>>
          %dma_start3A_96 = arith.constant 0 : i32
          %dma_start3A_97 = tpu.memref_slice %arg8[%run_scoped3A, %dma_start3A_96] : memref<4x125xi32, #tpu.memory_space<vmem>> -> memref<1x125xi32, #tpu.memory_space<vmem>>
          %dma_start3A_98 = tpu.memref_squeeze %dma_start3A_97 : memref<1x125xi32, #tpu.memory_space<vmem>> -> memref<125xi32, #tpu.memory_space<vmem>>
          %dma_start3A_99 = arith.constant 0 : i32
          %dma_start3A_100 = arith.constant 0 : i32
          %dma_start3A_101 = tpu.memref_slice %arg7[%dma_start3A_99, %dma_start3A_100] : memref<100000x16xf32, #tpu.memory_space<vmem_shared>> -> memref<100000x16xf32, #tpu.memory_space<vmem_shared>>
          tpu.enqueue_indirect_dma source(%dma_start3A_95 : memref<125x16xf32, #tpu.memory_space<vmem>>) target(%dma_start3A_101 : memref<100000x16xf32, #tpu.memory_space<vmem_shared>>) offsets(%dma_start3A_98 : memref<125xi32, #tpu.memory_space<vmem>>) semaphore(%run_scoped3A_92 : memref<!tpu.dma_semaphore, #tpu.memory_space<semaphore_mem>>) {add = true}
          %dma_wait3A_102 = arith.constant 0 : i32
          %dma_wait3A_103 = arith.constant 0 : i32
          %dma_wait3A_104 = tpu.memref_slice %arg9[%dma_wait3A_102, %dma_wait3A_103] : memref<500x16xf32, #tpu.memory_space<vmem>> -> memref<125x16xf32, #tpu.memory_space<vmem>>
          %dma_wait3A_105 = arith.constant 0 : i32
          %dma_wait3A_106 = tpu.memref_slice %arg8[%run_scoped3A, %dma_wait3A_105] : memref<4x125xi32, #tpu.memory_space<vmem>> -> memref<1x125xi32, #tpu.memory_space<vmem>>
          %dma_wait3A_107 = tpu.memref_squeeze %dma_wait3A_106 : memref<1x125xi32, #tpu.memory_space<vmem>> -> memref<125xi32, #tpu.memory_space<vmem>>
          %dma_wait3A_108 = arith.constant 0 : i32
          %dma_wait3A_109 = arith.constant 0 : i32
          %dma_wait3A_110 = tpu.memref_slice %arg7[%dma_wait3A_108, %dma_wait3A_109] : memref<100000x16xf32, #tpu.memory_space<vmem_shared>> -> memref<100000x16xf32, #tpu.memory_space<vmem_shared>>
          tpu.wait_indirect_dma semaphore(%run_scoped3A_92 : memref<!tpu.dma_semaphore, #tpu.memory_space<semaphore_mem>>) src(%dma_wait3A_104 : memref<125x16xf32, #tpu.memory_space<vmem>>) dst(%dma_wait3A_110 : memref<100000x16xf32, #tpu.memory_space<vmem_shared>>)
          tpu.yield
        }) : () -> ()
        %run_scoped3A_70 = arith.constant 1 : i32
        "tpu.region"() ({
          %run_scoped3A_92 = tpu.sem_alloc : memref<!tpu.dma_semaphore, #tpu.memory_space<semaphore_mem>>
          %dma_start3A_93 = arith.constant 125 : i32
          %dma_start3A_94 = arith.constant 0 : i32
          %dma_start3A_95 = tpu.memref_slice %arg9[%dma_start3A_93, %dma_start3A_94] : memref<500x16xf32, #tpu.memory_space<vmem>> -> memref<125x16xf32, #tpu.memory_space<vmem>>
          %dma_start3A_96 = arith.constant 0 : i32
          %dma_start3A_97 = tpu.memref_slice %arg8[%run_scoped3A_70, %dma_start3A_96] : memref<4x125xi32, #tpu.memory_space<vmem>> -> memref<1x125xi32, #tpu.memory_space<vmem>>
          %dma_start3A_98 = tpu.memref_squeeze %dma_start3A_97 : memref<1x125xi32, #tpu.memory_space<vmem>> -> memref<125xi32, #tpu.memory_space<vmem>>
          %dma_start3A_99 = arith.constant 0 : i32
          %dma_start3A_100 = arith.constant 0 : i32
          %dma_start3A_101 = tpu.memref_slice %arg7[%dma_start3A_99, %dma_start3A_100] : memref<100000x16xf32, #tpu.memory_space<vmem_shared>> -> memref<100000x16xf32, #tpu.memory_space<vmem_shared>>
          tpu.enqueue_indirect_dma source(%dma_start3A_95 : memref<125x16xf32, #tpu.memory_space<vmem>>) target(%dma_start3A_101 : memref<100000x16xf32, #tpu.memory_space<vmem_shared>>) offsets(%dma_start3A_98 : memref<125xi32, #tpu.memory_space<vmem>>) semaphore(%run_scoped3A_92 : memref<!tpu.dma_semaphore, #tpu.memory_space<semaphore_mem>>) {add = true}
          %dma_wait3A_102 = arith.constant 125 : i32
          %dma_wait3A_103 = arith.constant 0 : i32
          %dma_wait3A_104 = tpu.memref_slice %arg9[%dma_wait3A_102, %dma_wait3A_103] : memref<500x16xf32, #tpu.memory_space<vmem>> -> memref<125x16xf32, #tpu.memory_space<vmem>>
          %dma_wait3A_105 = arith.constant 0 : i32
          %dma_wait3A_106 = tpu.memref_slice %arg8[%run_scoped3A_70, %dma_wait3A_105] : memref<4x125xi32, #tpu.memory_space<vmem>> -> memref<1x125xi32, #tpu.memory_space<vmem>>
          %dma_wait3A_107 = tpu.memref_squeeze %dma_wait3A_106 : memref<1x125xi32, #tpu.memory_space<vmem>> -> memref<125xi32, #tpu.memory_space<vmem>>
          %dma_wait3A_108 = arith.constant 0 : i32
          %dma_wait3A_109 = arith.constant 0 : i32
          %dma_wait3A_110 = tpu.memref_slice %arg7[%dma_wait3A_108, %dma_wait3A_109] : memref<100000x16xf32, #tpu.memory_space<vmem_shared>> -> memref<100000x16xf32, #tpu.memory_space<vmem_shared>>
          tpu.wait_indirect_dma semaphore(%run_scoped3A_92 : memref<!tpu.dma_semaphore, #tpu.memory_space<semaphore_mem>>) src(%dma_wait3A_104 : memref<125x16xf32, #tpu.memory_space<vmem>>) dst(%dma_wait3A_110 : memref<100000x16xf32, #tpu.memory_space<vmem_shared>>)
          tpu.yield
        }) : () -> ()
        %run_scoped3A_71 = arith.constant 2 : i32
        "tpu.region"() ({
          %run_scoped3A_92 = tpu.sem_alloc : memref<!tpu.dma_semaphore, #tpu.memory_space<semaphore_mem>>
          %dma_start3A_93 = arith.constant 250 : i32
          %dma_start3A_94 = arith.constant 0 : i32
          %dma_start3A_95 = tpu.memref_slice %arg9[%dma_start3A_93, %dma_start3A_94] : memref<500x16xf32, #tpu.memory_space<vmem>> -> memref<125x16xf32, #tpu.memory_space<vmem>>
          %dma_start3A_96 = arith.constant 0 : i32
          %dma_start3A_97 = tpu.memref_slice %arg8[%run_scoped3A_71, %dma_start3A_96] : memref<4x125xi32, #tpu.memory_space<vmem>> -> memref<1x125xi32, #tpu.memory_space<vmem>>
          %dma_start3A_98 = tpu.memref_squeeze %dma_start3A_97 : memref<1x125xi32, #tpu.memory_space<vmem>> -> memref<125xi32, #tpu.memory_space<vmem>>
          %dma_start3A_99 = arith.constant 0 : i32
          %dma_start3A_100 = arith.constant 0 : i32
          %dma_start3A_101 = tpu.memref_slice %arg7[%dma_start3A_99, %dma_start3A_100] : memref<100000x16xf32, #tpu.memory_space<vmem_shared>> -> memref<100000x16xf32, #tpu.memory_space<vmem_shared>>
          tpu.enqueue_indirect_dma source(%dma_start3A_95 : memref<125x16xf32, #tpu.memory_space<vmem>>) target(%dma_start3A_101 : memref<100000x16xf32, #tpu.memory_space<vmem_shared>>) offsets(%dma_start3A_98 : memref<125xi32, #tpu.memory_space<vmem>>) semaphore(%run_scoped3A_92 : memref<!tpu.dma_semaphore, #tpu.memory_space<semaphore_mem>>) {add = true}
          %dma_wait3A_102 = arith.constant 250 : i32
          %dma_wait3A_103 = arith.constant 0 : i32
          %dma_wait3A_104 = tpu.memref_slice %arg9[%dma_wait3A_102, %dma_wait3A_103] : memref<500x16xf32, #tpu.memory_space<vmem>> -> memref<125x16xf32, #tpu.memory_space<vmem>>
          %dma_wait3A_105 = arith.constant 0 : i32
          %dma_wait3A_106 = tpu.memref_slice %arg8[%run_scoped3A_71, %dma_wait3A_105] : memref<4x125xi32, #tpu.memory_space<vmem>> -> memref<1x125xi32, #tpu.memory_space<vmem>>
          %dma_wait3A_107 = tpu.memref_squeeze %dma_wait3A_106 : memref<1x125xi32, #tpu.memory_space<vmem>> -> memref<125xi32, #tpu.memory_space<vmem>>
          %dma_wait3A_108 = arith.constant 0 : i32
          %dma_wait3A_109 = arith.constant 0 : i32
          %dma_wait3A_110 = tpu.memref_slice %arg7[%dma_wait3A_108, %dma_wait3A_109] : memref<100000x16xf32, #tpu.memory_space<vmem_shared>> -> memref<100000x16xf32, #tpu.memory_space<vmem_shared>>
          tpu.wait_indirect_dma semaphore(%run_scoped3A_92 : memref<!tpu.dma_semaphore, #tpu.memory_space<semaphore_mem>>) src(%dma_wait3A_104 : memref<125x16xf32, #tpu.memory_space<vmem>>) dst(%dma_wait3A_110 : memref<100000x16xf32, #tpu.memory_space<vmem_shared>>)
          tpu.yield
        }) : () -> ()
        %run_scoped3A_72 = arith.constant 3 : i32
        "tpu.region"() ({
          %run_scoped3A_92 = tpu.sem_alloc : memref<!tpu.dma_semaphore, #tpu.memory_space<semaphore_mem>>
          %dma_start3A_93 = arith.constant 375 : i32
          %dma_start3A_94 = arith.constant 0 : i32
          %dma_start3A_95 = tpu.memref_slice %arg9[%dma_start3A_93, %dma_start3A_94] : memref<500x16xf32, #tpu.memory_space<vmem>> -> memref<125x16xf32, #tpu.memory_space<vmem>>
          %dma_start3A_96 = arith.constant 0 : i32
          %dma_start3A_97 = tpu.memref_slice %arg8[%run_scoped3A_72, %dma_start3A_96] : memref<4x125xi32, #tpu.memory_space<vmem>> -> memref<1x125xi32, #tpu.memory_space<vmem>>
          %dma_start3A_98 = tpu.memref_squeeze %dma_start3A_97 : memref<1x125xi32, #tpu.memory_space<vmem>> -> memref<125xi32, #tpu.memory_space<vmem>>
          %dma_start3A_99 = arith.constant 0 : i32
          %dma_start3A_100 = arith.constant 0 : i32
          %dma_start3A_101 = tpu.memref_slice %arg7[%dma_start3A_99, %dma_start3A_100] : memref<100000x16xf32, #tpu.memory_space<vmem_shared>> -> memref<100000x16xf32, #tpu.memory_space<vmem_shared>>
          tpu.enqueue_indirect_dma source(%dma_start3A_95 : memref<125x16xf32, #tpu.memory_space<vmem>>) target(%dma_start3A_101 : memref<100000x16xf32, #tpu.memory_space<vmem_shared>>) offsets(%dma_start3A_98 : memref<125xi32, #tpu.memory_space<vmem>>) semaphore(%run_scoped3A_92 : memref<!tpu.dma_semaphore, #tpu.memory_space<semaphore_mem>>) {add = true}
          %dma_wait3A_102 = arith.constant 375 : i32
          %dma_wait3A_103 = arith.constant 0 : i32
          %dma_wait3A_104 = tpu.memref_slice %arg9[%dma_wait3A_102, %dma_wait3A_103] : memref<500x16xf32, #tpu.memory_space<vmem>> -> memref<125x16xf32, #tpu.memory_space<vmem>>
          %dma_wait3A_105 = arith.constant 0 : i32
          %dma_wait3A_106 = tpu.memref_slice %arg8[%run_scoped3A_72, %dma_wait3A_105] : memref<4x125xi32, #tpu.memory_space<vmem>> -> memref<1x125xi32, #tpu.memory_space<vmem>>
          %dma_wait3A_107 = tpu.memref_squeeze %dma_wait3A_106 : memref<1x125xi32, #tpu.memory_space<vmem>> -> memref<125xi32, #tpu.memory_space<vmem>>
          %dma_wait3A_108 = arith.constant 0 : i32
          %dma_wait3A_109 = arith.constant 0 : i32
          %dma_wait3A_110 = tpu.memref_slice %arg7[%dma_wait3A_108, %dma_wait3A_109] : memref<100000x16xf32, #tpu.memory_space<vmem_shared>> -> memref<100000x16xf32, #tpu.memory_space<vmem_shared>>
          tpu.wait_indirect_dma semaphore(%run_scoped3A_92 : memref<!tpu.dma_semaphore, #tpu.memory_space<semaphore_mem>>) src(%dma_wait3A_104 : memref<125x16xf32, #tpu.memory_space<vmem>>) dst(%dma_wait3A_110 : memref<100000x16xf32, #tpu.memory_space<vmem_shared>>)
          tpu.yield
        }) : () -> ()
        %dma_wait3A_73 = arith.constant 0 : i32
        %dma_wait3A_74 = tpu.memref_slice %arg2[%add3A_48, %dma_wait3A_73] : memref<25600x125xi32, #tpu.memory_space<hbm>> -> memref<4x125xi32, #tpu.memory_space<hbm>>
        %dma_wait3A_75 = arith.constant 0 : i32
        %dma_wait3A_76 = tpu.memref_slice %arg2[%add3A_48, %dma_wait3A_75] : memref<25600x125xi32, #tpu.memory_space<hbm>> -> memref<4x125xi32, #tpu.memory_space<hbm>>
        tpu.wait_dma2 semaphore(%arg15 : memref<!tpu.dma_semaphore, #tpu.memory_space<semaphore_mem>>) src(%dma_wait3A_76 : memref<4x125xi32, #tpu.memory_space<hbm>>) dst(%arg11 : memref<4x125xi32, #tpu.memory_space<vmem>>)
        %mul3A_77 = arith.constant 125 : i32
        %mul3A_78 = arith.muli %add3A_48, %mul3A_77 : i32
        %dma_wait3A_79 = arith.constant 0 : i32
        %dma_wait3A_80 = tpu.memref_slice %arg3[%mul3A_78, %dma_wait3A_79] : memref<3200000x16xf32, #tpu.memory_space<hbm>> -> memref<500x16xf32, #tpu.memory_space<hbm>>
        %dma_wait3A_81 = arith.constant 0 : i32
        %dma_wait3A_82 = tpu.memref_slice %arg3[%mul3A_78, %dma_wait3A_81] : memref<3200000x16xf32, #tpu.memory_space<hbm>> -> memref<500x16xf32, #tpu.memory_space<hbm>>
        tpu.wait_dma2 semaphore(%arg16 : memref<!tpu.dma_semaphore, #tpu.memory_space<semaphore_mem>>) src(%dma_wait3A_82 : memref<500x16xf32, #tpu.memory_space<hbm>>) dst(%arg12 : memref<500x16xf32, #tpu.memory_space<vmem>>)
        %lt3A_83 = arith.constant 199 : i32
        %lt3A_84 = arith.cmpi slt, %scan3A_42, %lt3A_83 : i32
        %convert_element_type3A_85 = arith.extui %lt3A_84 : i1 to i32
        %cond3A_86 = arith.constant 0 : i32
        %cond3A_87 = arith.cmpi ne, %convert_element_type3A_85, %cond3A_86 : i32
        scf.if %cond3A_87 {
          %dma_start3A_92 = arith.constant 0 : i32
          %dma_start3A_93 = tpu.memref_slice %arg2[%add3A_50, %dma_start3A_92] : memref<25600x125xi32, #tpu.memory_space<hbm>> -> memref<4x125xi32, #tpu.memory_space<hbm>>
          %dma_start3A_94 = arith.constant 0 : i32
          %dma_start3A_95 = tpu.memref_slice %arg2[%add3A_50, %dma_start3A_94] : memref<25600x125xi32, #tpu.memory_space<hbm>> -> memref<4x125xi32, #tpu.memory_space<hbm>>
          tpu.enqueue_dma source(%dma_start3A_95 : memref<4x125xi32, #tpu.memory_space<hbm>>) target(%arg8 : memref<4x125xi32, #tpu.memory_space<vmem>>) target_semaphore(%arg13 : memref<!tpu.dma_semaphore, #tpu.memory_space<semaphore_mem>>)
          %mul3A_96 = arith.constant 125 : i32
          %mul3A_97 = arith.muli %add3A_50, %mul3A_96 : i32
          %dma_start3A_98 = arith.constant 0 : i32
          %dma_start3A_99 = tpu.memref_slice %arg3[%mul3A_97, %dma_start3A_98] : memref<3200000x16xf32, #tpu.memory_space<hbm>> -> memref<500x16xf32, #tpu.memory_space<hbm>>
          %dma_start3A_100 = arith.constant 0 : i32
          %dma_start3A_101 = tpu.memref_slice %arg3[%mul3A_97, %dma_start3A_100] : memref<3200000x16xf32, #tpu.memory_space<hbm>> -> memref<500x16xf32, #tpu.memory_space<hbm>>
          tpu.enqueue_dma source(%dma_start3A_101 : memref<500x16xf32, #tpu.memory_space<hbm>>) target(%arg9 : memref<500x16xf32, #tpu.memory_space<vmem>>) target_semaphore(%arg14 : memref<!tpu.dma_semaphore, #tpu.memory_space<semaphore_mem>>)
        } else {
        }
        %run_scoped3A_88 = arith.constant 0 : i32
        "tpu.region"() ({
          %run_scoped3A_92 = tpu.sem_alloc : memref<!tpu.dma_semaphore, #tpu.memory_space<semaphore_mem>>
          %dma_start3A_93 = arith.constant 0 : i32
          %dma_start3A_94 = arith.constant 0 : i32
          %dma_start3A_95 = tpu.memref_slice %arg12[%dma_start3A_93, %dma_start3A_94] : memref<500x16xf32, #tpu.memory_space<vmem>> -> memref<125x16xf32, #tpu.memory_space<vmem>>
          %dma_start3A_96 = arith.constant 0 : i32
          %dma_start3A_97 = tpu.memref_slice %arg11[%run_scoped3A_88, %dma_start3A_96] : memref<4x125xi32, #tpu.memory_space<vmem>> -> memref<1x125xi32, #tpu.memory_space<vmem>>
          %dma_start3A_98 = tpu.memref_squeeze %dma_start3A_97 : memref<1x125xi32, #tpu.memory_space<vmem>> -> memref<125xi32, #tpu.memory_space<vmem>>
          %dma_start3A_99 = arith.constant 0 : i32
          %dma_start3A_100 = arith.constant 0 : i32
          %dma_start3A_101 = tpu.memref_slice %arg7[%dma_start3A_99, %dma_start3A_100] : memref<100000x16xf32, #tpu.memory_space<vmem_shared>> -> memref<100000x16xf32, #tpu.memory_space<vmem_shared>>
          tpu.enqueue_indirect_dma source(%dma_start3A_95 : memref<125x16xf32, #tpu.memory_space<vmem>>) target(%dma_start3A_101 : memref<100000x16xf32, #tpu.memory_space<vmem_shared>>) offsets(%dma_start3A_98 : memref<125xi32, #tpu.memory_space<vmem>>) semaphore(%run_scoped3A_92 : memref<!tpu.dma_semaphore, #tpu.memory_space<semaphore_mem>>) {add = true}
          %dma_wait3A_102 = arith.constant 0 : i32
          %dma_wait3A_103 = arith.constant 0 : i32
          %dma_wait3A_104 = tpu.memref_slice %arg12[%dma_wait3A_102, %dma_wait3A_103] : memref<500x16xf32, #tpu.memory_space<vmem>> -> memref<125x16xf32, #tpu.memory_space<vmem>>
          %dma_wait3A_105 = arith.constant 0 : i32
          %dma_wait3A_106 = tpu.memref_slice %arg11[%run_scoped3A_88, %dma_wait3A_105] : memref<4x125xi32, #tpu.memory_space<vmem>> -> memref<1x125xi32, #tpu.memory_space<vmem>>
          %dma_wait3A_107 = tpu.memref_squeeze %dma_wait3A_106 : memref<1x125xi32, #tpu.memory_space<vmem>> -> memref<125xi32, #tpu.memory_space<vmem>>
          %dma_wait3A_108 = arith.constant 0 : i32
          %dma_wait3A_109 = arith.constant 0 : i32
          %dma_wait3A_110 = tpu.memref_slice %arg7[%dma_wait3A_108, %dma_wait3A_109] : memref<100000x16xf32, #tpu.memory_space<vmem_shared>> -> memref<100000x16xf32, #tpu.memory_space<vmem_shared>>
          tpu.wait_indirect_dma semaphore(%run_scoped3A_92 : memref<!tpu.dma_semaphore, #tpu.memory_space<semaphore_mem>>) src(%dma_wait3A_104 : memref<125x16xf32, #tpu.memory_space<vmem>>) dst(%dma_wait3A_110 : memref<100000x16xf32, #tpu.memory_space<vmem_shared>>)
          tpu.yield
        }) : () -> ()
        %run_scoped3A_89 = arith.constant 1 : i32
        "tpu.region"() ({
          %run_scoped3A_92 = tpu.sem_alloc : memref<!tpu.dma_semaphore, #tpu.memory_space<semaphore_mem>>
          %dma_start3A_93 = arith.constant 125 : i32
          %dma_start3A_94 = arith.constant 0 : i32
          %dma_start3A_95 = tpu.memref_slice %arg12[%dma_start3A_93, %dma_start3A_94] : memref<500x16xf32, #tpu.memory_space<vmem>> -> memref<125x16xf32, #tpu.memory_space<vmem>>
          %dma_start3A_96 = arith.constant 0 : i32
          %dma_start3A_97 = tpu.memref_slice %arg11[%run_scoped3A_89, %dma_start3A_96] : memref<4x125xi32, #tpu.memory_space<vmem>> -> memref<1x125xi32, #tpu.memory_space<vmem>>
          %dma_start3A_98 = tpu.memref_squeeze %dma_start3A_97 : memref<1x125xi32, #tpu.memory_space<vmem>> -> memref<125xi32, #tpu.memory_space<vmem>>
          %dma_start3A_99 = arith.constant 0 : i32
          %dma_start3A_100 = arith.constant 0 : i32
          %dma_start3A_101 = tpu.memref_slice %arg7[%dma_start3A_99, %dma_start3A_100] : memref<100000x16xf32, #tpu.memory_space<vmem_shared>> -> memref<100000x16xf32, #tpu.memory_space<vmem_shared>>
          tpu.enqueue_indirect_dma source(%dma_start3A_95 : memref<125x16xf32, #tpu.memory_space<vmem>>) target(%dma_start3A_101 : memref<100000x16xf32, #tpu.memory_space<vmem_shared>>) offsets(%dma_start3A_98 : memref<125xi32, #tpu.memory_space<vmem>>) semaphore(%run_scoped3A_92 : memref<!tpu.dma_semaphore, #tpu.memory_space<semaphore_mem>>) {add = true}
          %dma_wait3A_102 = arith.constant 125 : i32
          %dma_wait3A_103 = arith.constant 0 : i32
          %dma_wait3A_104 = tpu.memref_slice %arg12[%dma_wait3A_102, %dma_wait3A_103] : memref<500x16xf32, #tpu.memory_space<vmem>> -> memref<125x16xf32, #tpu.memory_space<vmem>>
          %dma_wait3A_105 = arith.constant 0 : i32
          %dma_wait3A_106 = tpu.memref_slice %arg11[%run_scoped3A_89, %dma_wait3A_105] : memref<4x125xi32, #tpu.memory_space<vmem>> -> memref<1x125xi32, #tpu.memory_space<vmem>>
          %dma_wait3A_107 = tpu.memref_squeeze %dma_wait3A_106 : memref<1x125xi32, #tpu.memory_space<vmem>> -> memref<125xi32, #tpu.memory_space<vmem>>
          %dma_wait3A_108 = arith.constant 0 : i32
          %dma_wait3A_109 = arith.constant 0 : i32
          %dma_wait3A_110 = tpu.memref_slice %arg7[%dma_wait3A_108, %dma_wait3A_109] : memref<100000x16xf32, #tpu.memory_space<vmem_shared>> -> memref<100000x16xf32, #tpu.memory_space<vmem_shared>>
          tpu.wait_indirect_dma semaphore(%run_scoped3A_92 : memref<!tpu.dma_semaphore, #tpu.memory_space<semaphore_mem>>) src(%dma_wait3A_104 : memref<125x16xf32, #tpu.memory_space<vmem>>) dst(%dma_wait3A_110 : memref<100000x16xf32, #tpu.memory_space<vmem_shared>>)
          tpu.yield
        }) : () -> ()
        %run_scoped3A_90 = arith.constant 2 : i32
        "tpu.region"() ({
          %run_scoped3A_92 = tpu.sem_alloc : memref<!tpu.dma_semaphore, #tpu.memory_space<semaphore_mem>>
          %dma_start3A_93 = arith.constant 250 : i32
          %dma_start3A_94 = arith.constant 0 : i32
          %dma_start3A_95 = tpu.memref_slice %arg12[%dma_start3A_93, %dma_start3A_94] : memref<500x16xf32, #tpu.memory_space<vmem>> -> memref<125x16xf32, #tpu.memory_space<vmem>>
          %dma_start3A_96 = arith.constant 0 : i32
          %dma_start3A_97 = tpu.memref_slice %arg11[%run_scoped3A_90, %dma_start3A_96] : memref<4x125xi32, #tpu.memory_space<vmem>> -> memref<1x125xi32, #tpu.memory_space<vmem>>
          %dma_start3A_98 = tpu.memref_squeeze %dma_start3A_97 : memref<1x125xi32, #tpu.memory_space<vmem>> -> memref<125xi32, #tpu.memory_space<vmem>>
          %dma_start3A_99 = arith.constant 0 : i32
          %dma_start3A_100 = arith.constant 0 : i32
          %dma_start3A_101 = tpu.memref_slice %arg7[%dma_start3A_99, %dma_start3A_100] : memref<100000x16xf32, #tpu.memory_space<vmem_shared>> -> memref<100000x16xf32, #tpu.memory_space<vmem_shared>>
          tpu.enqueue_indirect_dma source(%dma_start3A_95 : memref<125x16xf32, #tpu.memory_space<vmem>>) target(%dma_start3A_101 : memref<100000x16xf32, #tpu.memory_space<vmem_shared>>) offsets(%dma_start3A_98 : memref<125xi32, #tpu.memory_space<vmem>>) semaphore(%run_scoped3A_92 : memref<!tpu.dma_semaphore, #tpu.memory_space<semaphore_mem>>) {add = true}
          %dma_wait3A_102 = arith.constant 250 : i32
          %dma_wait3A_103 = arith.constant 0 : i32
          %dma_wait3A_104 = tpu.memref_slice %arg12[%dma_wait3A_102, %dma_wait3A_103] : memref<500x16xf32, #tpu.memory_space<vmem>> -> memref<125x16xf32, #tpu.memory_space<vmem>>
          %dma_wait3A_105 = arith.constant 0 : i32
          %dma_wait3A_106 = tpu.memref_slice %arg11[%run_scoped3A_90, %dma_wait3A_105] : memref<4x125xi32, #tpu.memory_space<vmem>> -> memref<1x125xi32, #tpu.memory_space<vmem>>
          %dma_wait3A_107 = tpu.memref_squeeze %dma_wait3A_106 : memref<1x125xi32, #tpu.memory_space<vmem>> -> memref<125xi32, #tpu.memory_space<vmem>>
          %dma_wait3A_108 = arith.constant 0 : i32
          %dma_wait3A_109 = arith.constant 0 : i32
          %dma_wait3A_110 = tpu.memref_slice %arg7[%dma_wait3A_108, %dma_wait3A_109] : memref<100000x16xf32, #tpu.memory_space<vmem_shared>> -> memref<100000x16xf32, #tpu.memory_space<vmem_shared>>
          tpu.wait_indirect_dma semaphore(%run_scoped3A_92 : memref<!tpu.dma_semaphore, #tpu.memory_space<semaphore_mem>>) src(%dma_wait3A_104 : memref<125x16xf32, #tpu.memory_space<vmem>>) dst(%dma_wait3A_110 : memref<100000x16xf32, #tpu.memory_space<vmem_shared>>)
          tpu.yield
        }) : () -> ()
        %run_scoped3A_91 = arith.constant 3 : i32
        "tpu.region"() ({
          %run_scoped3A_92 = tpu.sem_alloc : memref<!tpu.dma_semaphore, #tpu.memory_space<semaphore_mem>>
          %dma_start3A_93 = arith.constant 375 : i32
          %dma_start3A_94 = arith.constant 0 : i32
          %dma_start3A_95 = tpu.memref_slice %arg12[%dma_start3A_93, %dma_start3A_94] : memref<500x16xf32, #tpu.memory_space<vmem>> -> memref<125x16xf32, #tpu.memory_space<vmem>>
          %dma_start3A_96 = arith.constant 0 : i32
          %dma_start3A_97 = tpu.memref_slice %arg11[%run_scoped3A_91, %dma_start3A_96] : memref<4x125xi32, #tpu.memory_space<vmem>> -> memref<1x125xi32, #tpu.memory_space<vmem>>
          %dma_start3A_98 = tpu.memref_squeeze %dma_start3A_97 : memref<1x125xi32, #tpu.memory_space<vmem>> -> memref<125xi32, #tpu.memory_space<vmem>>
          %dma_start3A_99 = arith.constant 0 : i32
          %dma_start3A_100 = arith.constant 0 : i32
          %dma_start3A_101 = tpu.memref_slice %arg7[%dma_start3A_99, %dma_start3A_100] : memref<100000x16xf32, #tpu.memory_space<vmem_shared>> -> memref<100000x16xf32, #tpu.memory_space<vmem_shared>>
          tpu.enqueue_indirect_dma source(%dma_start3A_95 : memref<125x16xf32, #tpu.memory_space<vmem>>) target(%dma_start3A_101 : memref<100000x16xf32, #tpu.memory_space<vmem_shared>>) offsets(%dma_start3A_98 : memref<125xi32, #tpu.memory_space<vmem>>) semaphore(%run_scoped3A_92 : memref<!tpu.dma_semaphore, #tpu.memory_space<semaphore_mem>>) {add = true}
          %dma_wait3A_102 = arith.constant 375 : i32
          %dma_wait3A_103 = arith.constant 0 : i32
          %dma_wait3A_104 = tpu.memref_slice %arg12[%dma_wait3A_102, %dma_wait3A_103] : memref<500x16xf32, #tpu.memory_space<vmem>> -> memref<125x16xf32, #tpu.memory_space<vmem>>
          %dma_wait3A_105 = arith.constant 0 : i32
          %dma_wait3A_106 = tpu.memref_slice %arg11[%run_scoped3A_91, %dma_wait3A_105] : memref<4x125xi32, #tpu.memory_space<vmem>> -> memref<1x125xi32, #tpu.memory_space<vmem>>
          %dma_wait3A_107 = tpu.memref_squeeze %dma_wait3A_106 : memref<1x125xi32, #tpu.memory_space<vmem>> -> memref<125xi32, #tpu.memory_space<vmem>>
          %dma_wait3A_108 = arith.constant 0 : i32
          %dma_wait3A_109 = arith.constant 0 : i32
          %dma_wait3A_110 = tpu.memref_slice %arg7[%dma_wait3A_108, %dma_wait3A_109] : memref<100000x16xf32, #tpu.memory_space<vmem_shared>> -> memref<100000x16xf32, #tpu.memory_space<vmem_shared>>
          tpu.wait_indirect_dma semaphore(%run_scoped3A_92 : memref<!tpu.dma_semaphore, #tpu.memory_space<semaphore_mem>>) src(%dma_wait3A_104 : memref<125x16xf32, #tpu.memory_space<vmem>>) dst(%dma_wait3A_110 : memref<100000x16xf32, #tpu.memory_space<vmem_shared>>)
          tpu.yield
        }) : () -> ()
      }
      %scan3A_41 = arith.constant 200 : i32
    } else {
    }
    %eq3A_12 = arith.constant 1 : i32
    %eq3A_13 = arith.cmpi eq, %arg0, %eq3A_12 : i32
    %convert_element_type3A_14 = arith.extui %eq3A_13 : i1 to i32
    %cond3A_15 = arith.constant 0 : i32
    %cond3A_16 = arith.cmpi ne, %convert_element_type3A_14, %cond3A_15 : i32
    scf.if %cond3A_16 {
      %scan3A = arith.constant 0 : i32
      %scan3A_28 = arith.constant 0 : i32
      %scan3A_29 = arith.constant 400 : i32
      %scan3A_30 = arith.addi %scan3A_28, %scan3A_29 : i32
      %scan3A_31 = arith.constant 1 : i32
      scf.for %scan3A_33 = %scan3A_28 to %scan3A_30 step %scan3A_31  : i32 {
        %mul3A_34 = arith.constant 4 : i32
        %mul3A_35 = arith.muli %scan3A_33, %mul3A_34 : i32
        %add3A = arith.addi %mul3A_6, %mul3A_35 : i32
        "tpu.region"() ({
          %run_scoped3A_39 = tpu.sem_alloc : memref<!tpu.dma_semaphore, #tpu.memory_space<semaphore_mem>>
          %dma_start3A = arith.constant 0 : i32
          %dma_start3A_40 = tpu.memref_slice %arg2[%add3A, %dma_start3A] : memref<25600x125xi32, #tpu.memory_space<hbm>> -> memref<4x125xi32, #tpu.memory_space<hbm>>
          %dma_start3A_41 = arith.constant 0 : i32
          %dma_start3A_42 = tpu.memref_slice %arg2[%add3A, %dma_start3A_41] : memref<25600x125xi32, #tpu.memory_space<hbm>> -> memref<4x125xi32, #tpu.memory_space<hbm>>
          tpu.enqueue_dma source(%dma_start3A_42 : memref<4x125xi32, #tpu.memory_space<hbm>>) target(%arg8 : memref<4x125xi32, #tpu.memory_space<vmem>>) target_semaphore(%run_scoped3A_39 : memref<!tpu.dma_semaphore, #tpu.memory_space<semaphore_mem>>)
          %dma_wait3A = arith.constant 0 : i32
          %dma_wait3A_43 = tpu.memref_slice %arg2[%add3A, %dma_wait3A] : memref<25600x125xi32, #tpu.memory_space<hbm>> -> memref<4x125xi32, #tpu.memory_space<hbm>>
          %dma_wait3A_44 = arith.constant 0 : i32
          %dma_wait3A_45 = tpu.memref_slice %arg2[%add3A, %dma_wait3A_44] : memref<25600x125xi32, #tpu.memory_space<hbm>> -> memref<4x125xi32, #tpu.memory_space<hbm>>
          tpu.wait_dma2 semaphore(%run_scoped3A_39 : memref<!tpu.dma_semaphore, #tpu.memory_space<semaphore_mem>>) src(%dma_wait3A_45 : memref<4x125xi32, #tpu.memory_space<hbm>>) dst(%arg8 : memref<4x125xi32, #tpu.memory_space<vmem>>)
          tpu.yield
        }) : () -> ()
        %run_scoped3A = arith.constant 0 : i32
        "tpu.region"() ({
          %run_scoped3A_39 = tpu.sem_alloc : memref<!tpu.dma_semaphore, #tpu.memory_space<semaphore_mem>>
          %dma_start3A = arith.constant 0 : i32
          %dma_start3A_40 = tpu.memref_slice %arg8[%run_scoped3A, %dma_start3A] : memref<4x125xi32, #tpu.memory_space<vmem>> -> memref<1x125xi32, #tpu.memory_space<vmem>>
          %dma_start3A_41 = tpu.memref_squeeze %dma_start3A_40 : memref<1x125xi32, #tpu.memory_space<vmem>> -> memref<125xi32, #tpu.memory_space<vmem>>
          %dma_start3A_42 = arith.constant 0 : i32
          %dma_start3A_43 = arith.constant 0 : i32
          %dma_start3A_44 = tpu.memref_slice %arg7[%dma_start3A_42, %dma_start3A_43] : memref<100000x16xf32, #tpu.memory_space<vmem_shared>> -> memref<100000x16xf32, #tpu.memory_space<vmem_shared>>
          tpu.enqueue_indirect_dma source(%arg10 : memref<125x16xf32, #tpu.memory_space<vmem>>) target(%dma_start3A_44 : memref<100000x16xf32, #tpu.memory_space<vmem_shared>>) offsets(%dma_start3A_41 : memref<125xi32, #tpu.memory_space<vmem>>) semaphore(%run_scoped3A_39 : memref<!tpu.dma_semaphore, #tpu.memory_space<semaphore_mem>>) {add = true}
          %dma_wait3A = arith.constant 0 : i32
          %dma_wait3A_45 = tpu.memref_slice %arg8[%run_scoped3A, %dma_wait3A] : memref<4x125xi32, #tpu.memory_space<vmem>> -> memref<1x125xi32, #tpu.memory_space<vmem>>
          %dma_wait3A_46 = tpu.memref_squeeze %dma_wait3A_45 : memref<1x125xi32, #tpu.memory_space<vmem>> -> memref<125xi32, #tpu.memory_space<vmem>>
          %dma_wait3A_47 = arith.constant 0 : i32
          %dma_wait3A_48 = arith.constant 0 : i32
          %dma_wait3A_49 = tpu.memref_slice %arg7[%dma_wait3A_47, %dma_wait3A_48] : memref<100000x16xf32, #tpu.memory_space<vmem_shared>> -> memref<100000x16xf32, #tpu.memory_space<vmem_shared>>
          tpu.wait_indirect_dma semaphore(%run_scoped3A_39 : memref<!tpu.dma_semaphore, #tpu.memory_space<semaphore_mem>>) src(%arg10 : memref<125x16xf32, #tpu.memory_space<vmem>>) dst(%dma_wait3A_49 : memref<100000x16xf32, #tpu.memory_space<vmem_shared>>)
          tpu.yield
        }) : () -> ()
        %run_scoped3A_36 = arith.constant 1 : i32
        "tpu.region"() ({
          %run_scoped3A_39 = tpu.sem_alloc : memref<!tpu.dma_semaphore, #tpu.memory_space<semaphore_mem>>
          %dma_start3A = arith.constant 0 : i32
          %dma_start3A_40 = tpu.memref_slice %arg8[%run_scoped3A_36, %dma_start3A] : memref<4x125xi32, #tpu.memory_space<vmem>> -> memref<1x125xi32, #tpu.memory_space<vmem>>
          %dma_start3A_41 = tpu.memref_squeeze %dma_start3A_40 : memref<1x125xi32, #tpu.memory_space<vmem>> -> memref<125xi32, #tpu.memory_space<vmem>>
          %dma_start3A_42 = arith.constant 0 : i32
          %dma_start3A_43 = arith.constant 0 : i32
          %dma_start3A_44 = tpu.memref_slice %arg7[%dma_start3A_42, %dma_start3A_43] : memref<100000x16xf32, #tpu.memory_space<vmem_shared>> -> memref<100000x16xf32, #tpu.memory_space<vmem_shared>>
          tpu.enqueue_indirect_dma source(%arg10 : memref<125x16xf32, #tpu.memory_space<vmem>>) target(%dma_start3A_44 : memref<100000x16xf32, #tpu.memory_space<vmem_shared>>) offsets(%dma_start3A_41 : memref<125xi32, #tpu.memory_space<vmem>>) semaphore(%run_scoped3A_39 : memref<!tpu.dma_semaphore, #tpu.memory_space<semaphore_mem>>) {add = true}
          %dma_wait3A = arith.constant 0 : i32
          %dma_wait3A_45 = tpu.memref_slice %arg8[%run_scoped3A_36, %dma_wait3A] : memref<4x125xi32, #tpu.memory_space<vmem>> -> memref<1x125xi32, #tpu.memory_space<vmem>>
          %dma_wait3A_46 = tpu.memref_squeeze %dma_wait3A_45 : memref<1x125xi32, #tpu.memory_space<vmem>> -> memref<125xi32, #tpu.memory_space<vmem>>
          %dma_wait3A_47 = arith.constant 0 : i32
          %dma_wait3A_48 = arith.constant 0 : i32
          %dma_wait3A_49 = tpu.memref_slice %arg7[%dma_wait3A_47, %dma_wait3A_48] : memref<100000x16xf32, #tpu.memory_space<vmem_shared>> -> memref<100000x16xf32, #tpu.memory_space<vmem_shared>>
          tpu.wait_indirect_dma semaphore(%run_scoped3A_39 : memref<!tpu.dma_semaphore, #tpu.memory_space<semaphore_mem>>) src(%arg10 : memref<125x16xf32, #tpu.memory_space<vmem>>) dst(%dma_wait3A_49 : memref<100000x16xf32, #tpu.memory_space<vmem_shared>>)
          tpu.yield
        }) : () -> ()
        %run_scoped3A_37 = arith.constant 2 : i32
        "tpu.region"() ({
          %run_scoped3A_39 = tpu.sem_alloc : memref<!tpu.dma_semaphore, #tpu.memory_space<semaphore_mem>>
          %dma_start3A = arith.constant 0 : i32
          %dma_start3A_40 = tpu.memref_slice %arg8[%run_scoped3A_37, %dma_start3A] : memref<4x125xi32, #tpu.memory_space<vmem>> -> memref<1x125xi32, #tpu.memory_space<vmem>>
          %dma_start3A_41 = tpu.memref_squeeze %dma_start3A_40 : memref<1x125xi32, #tpu.memory_space<vmem>> -> memref<125xi32, #tpu.memory_space<vmem>>
          %dma_start3A_42 = arith.constant 0 : i32
          %dma_start3A_43 = arith.constant 0 : i32
          %dma_start3A_44 = tpu.memref_slice %arg7[%dma_start3A_42, %dma_start3A_43] : memref<100000x16xf32, #tpu.memory_space<vmem_shared>> -> memref<100000x16xf32, #tpu.memory_space<vmem_shared>>
          tpu.enqueue_indirect_dma source(%arg10 : memref<125x16xf32, #tpu.memory_space<vmem>>) target(%dma_start3A_44 : memref<100000x16xf32, #tpu.memory_space<vmem_shared>>) offsets(%dma_start3A_41 : memref<125xi32, #tpu.memory_space<vmem>>) semaphore(%run_scoped3A_39 : memref<!tpu.dma_semaphore, #tpu.memory_space<semaphore_mem>>) {add = true}
          %dma_wait3A = arith.constant 0 : i32
          %dma_wait3A_45 = tpu.memref_slice %arg8[%run_scoped3A_37, %dma_wait3A] : memref<4x125xi32, #tpu.memory_space<vmem>> -> memref<1x125xi32, #tpu.memory_space<vmem>>
          %dma_wait3A_46 = tpu.memref_squeeze %dma_wait3A_45 : memref<1x125xi32, #tpu.memory_space<vmem>> -> memref<125xi32, #tpu.memory_space<vmem>>
          %dma_wait3A_47 = arith.constant 0 : i32
          %dma_wait3A_48 = arith.constant 0 : i32
          %dma_wait3A_49 = tpu.memref_slice %arg7[%dma_wait3A_47, %dma_wait3A_48] : memref<100000x16xf32, #tpu.memory_space<vmem_shared>> -> memref<100000x16xf32, #tpu.memory_space<vmem_shared>>
          tpu.wait_indirect_dma semaphore(%run_scoped3A_39 : memref<!tpu.dma_semaphore, #tpu.memory_space<semaphore_mem>>) src(%arg10 : memref<125x16xf32, #tpu.memory_space<vmem>>) dst(%dma_wait3A_49 : memref<100000x16xf32, #tpu.memory_space<vmem_shared>>)
          tpu.yield
        }) : () -> ()
        %run_scoped3A_38 = arith.constant 3 : i32
        "tpu.region"() ({
          %run_scoped3A_39 = tpu.sem_alloc : memref<!tpu.dma_semaphore, #tpu.memory_space<semaphore_mem>>
          %dma_start3A = arith.constant 0 : i32
          %dma_start3A_40 = tpu.memref_slice %arg8[%run_scoped3A_38, %dma_start3A] : memref<4x125xi32, #tpu.memory_space<vmem>> -> memref<1x125xi32, #tpu.memory_space<vmem>>
          %dma_start3A_41 = tpu.memref_squeeze %dma_start3A_40 : memref<1x125xi32, #tpu.memory_space<vmem>> -> memref<125xi32, #tpu.memory_space<vmem>>
          %dma_start3A_42 = arith.constant 0 : i32
          %dma_start3A_43 = arith.constant 0 : i32
          %dma_start3A_44 = tpu.memref_slice %arg7[%dma_start3A_42, %dma_start3A_43] : memref<100000x16xf32, #tpu.memory_space<vmem_shared>> -> memref<100000x16xf32, #tpu.memory_space<vmem_shared>>
          tpu.enqueue_indirect_dma source(%arg10 : memref<125x16xf32, #tpu.memory_space<vmem>>) target(%dma_start3A_44 : memref<100000x16xf32, #tpu.memory_space<vmem_shared>>) offsets(%dma_start3A_41 : memref<125xi32, #tpu.memory_space<vmem>>) semaphore(%run_scoped3A_39 : memref<!tpu.dma_semaphore, #tpu.memory_space<semaphore_mem>>) {add = true}
          %dma_wait3A = arith.constant 0 : i32
          %dma_wait3A_45 = tpu.memref_slice %arg8[%run_scoped3A_38, %dma_wait3A] : memref<4x125xi32, #tpu.memory_space<vmem>> -> memref<1x125xi32, #tpu.memory_space<vmem>>
          %dma_wait3A_46 = tpu.memref_squeeze %dma_wait3A_45 : memref<1x125xi32, #tpu.memory_space<vmem>> -> memref<125xi32, #tpu.memory_space<vmem>>
          %dma_wait3A_47 = arith.constant 0 : i32
          %dma_wait3A_48 = arith.constant 0 : i32
          %dma_wait3A_49 = tpu.memref_slice %arg7[%dma_wait3A_47, %dma_wait3A_48] : memref<100000x16xf32, #tpu.memory_space<vmem_shared>> -> memref<100000x16xf32, #tpu.memory_space<vmem_shared>>
          tpu.wait_indirect_dma semaphore(%run_scoped3A_39 : memref<!tpu.dma_semaphore, #tpu.memory_space<semaphore_mem>>) src(%arg10 : memref<125x16xf32, #tpu.memory_space<vmem>>) dst(%dma_wait3A_49 : memref<100000x16xf32, #tpu.memory_space<vmem_shared>>)
          tpu.yield
        }) : () -> ()
      }
      %scan3A_32 = arith.constant 400 : i32
    } else {
    }
    %barrier3A_17 = arith.constant 0 : index
    tpu.barrier barrier_id(%barrier3A_17)
    %lt3A_18 = arith.constant 15 : i32
    %lt3A_19 = arith.cmpi slt, %arg1, %lt3A_18 : i32
    %convert_element_type3A_20 = arith.extui %lt3A_19 : i1 to i32
    %cond3A_21 = arith.constant 0 : i32
    %cond3A_22 = arith.cmpi ne, %convert_element_type3A_20, %cond3A_21 : i32
    scf.if %cond3A_22 {
      %mul3A_28 = arith.constant 6256 : i32
      %mul3A_29 = arith.muli %arg1, %mul3A_28 : i32
      %mul3A_30 = arith.constant 6256 : i32
      %mul3A_31 = arith.muli %arg1, %mul3A_30 : i32
      "tpu.region"() ({
        %run_scoped3A = tpu.sem_alloc : memref<!tpu.dma_semaphore, #tpu.memory_space<semaphore_mem>>
        %dma_start3A = arith.constant 0 : i32
        %dma_start3A_32 = tpu.memref_slice %arg6[%arg0, %mul3A_31, %dma_start3A] : memref<2x100000x16xf32, #tpu.memory_space<hbm>> -> memref<1x6256x16xf32, #tpu.memory_space<hbm>>
        %dma_start3A_33 = tpu.memref_squeeze %dma_start3A_32 : memref<1x6256x16xf32, #tpu.memory_space<hbm>> -> memref<6256x16xf32, #tpu.memory_space<hbm>>
        %dma_start3A_34 = arith.constant 0 : i32
        %dma_start3A_35 = tpu.memref_slice %arg7[%mul3A_29, %dma_start3A_34] : memref<100000x16xf32, #tpu.memory_space<vmem_shared>> -> memref<6256x16xf32, #tpu.memory_space<vmem_shared>>
        tpu.enqueue_dma source(%dma_start3A_35 : memref<6256x16xf32, #tpu.memory_space<vmem_shared>>) target(%dma_start3A_33 : memref<6256x16xf32, #tpu.memory_space<hbm>>) target_semaphore(%run_scoped3A : memref<!tpu.dma_semaphore, #tpu.memory_space<semaphore_mem>>)
        %dma_wait3A = arith.constant 0 : i32
        %dma_wait3A_36 = tpu.memref_slice %arg6[%arg0, %mul3A_31, %dma_wait3A] : memref<2x100000x16xf32, #tpu.memory_space<hbm>> -> memref<1x6256x16xf32, #tpu.memory_space<hbm>>
        %dma_wait3A_37 = tpu.memref_squeeze %dma_wait3A_36 : memref<1x6256x16xf32, #tpu.memory_space<hbm>> -> memref<6256x16xf32, #tpu.memory_space<hbm>>
        %dma_wait3A_38 = arith.constant 0 : i32
        %dma_wait3A_39 = tpu.memref_slice %arg7[%mul3A_29, %dma_wait3A_38] : memref<100000x16xf32, #tpu.memory_space<vmem_shared>> -> memref<6256x16xf32, #tpu.memory_space<vmem_shared>>
        tpu.wait_dma2 semaphore(%run_scoped3A : memref<!tpu.dma_semaphore, #tpu.memory_space<semaphore_mem>>) src(%dma_wait3A_39 : memref<6256x16xf32, #tpu.memory_space<vmem_shared>>) dst(%dma_wait3A_37 : memref<6256x16xf32, #tpu.memory_space<hbm>>)
        tpu.yield
      }) : () -> ()
    } else {
    }
    %eq3A_23 = arith.constant 15 : i32
    %eq3A_24 = arith.cmpi eq, %arg1, %eq3A_23 : i32
    %convert_element_type3A_25 = arith.extui %eq3A_24 : i1 to i32
    %cond3A_26 = arith.constant 0 : i32
    %cond3A_27 = arith.cmpi ne, %convert_element_type3A_25, %cond3A_26 : i32
    scf.if %cond3A_27 {
      %mul3A_28 = arith.constant 6256 : i32
      %mul3A_29 = arith.muli %arg1, %mul3A_28 : i32
      %mul3A_30 = arith.constant 6256 : i32
      %mul3A_31 = arith.muli %arg1, %mul3A_30 : i32
      "tpu.region"() ({
        %run_scoped3A = tpu.sem_alloc : memref<!tpu.dma_semaphore, #tpu.memory_space<semaphore_mem>>
        %dma_start3A = arith.constant 0 : i32
        %dma_start3A_32 = tpu.memref_slice %arg6[%arg0, %mul3A_31, %dma_start3A] : memref<2x100000x16xf32, #tpu.memory_space<hbm>> -> memref<1x6160x16xf32, #tpu.memory_space<hbm>>
        %dma_start3A_33 = tpu.memref_squeeze %dma_start3A_32 : memref<1x6160x16xf32, #tpu.memory_space<hbm>> -> memref<6160x16xf32, #tpu.memory_space<hbm>>
        %dma_start3A_34 = arith.constant 0 : i32
        %dma_start3A_35 = tpu.memref_slice %arg7[%mul3A_29, %dma_start3A_34] : memref<100000x16xf32, #tpu.memory_space<vmem_shared>> -> memref<6160x16xf32, #tpu.memory_space<vmem_shared>>
        tpu.enqueue_dma source(%dma_start3A_35 : memref<6160x16xf32, #tpu.memory_space<vmem_shared>>) target(%dma_start3A_33 : memref<6160x16xf32, #tpu.memory_space<hbm>>) target_semaphore(%run_scoped3A : memref<!tpu.dma_semaphore, #tpu.memory_space<semaphore_mem>>)
        %dma_wait3A = arith.constant 0 : i32
        %dma_wait3A_36 = tpu.memref_slice %arg6[%arg0, %mul3A_31, %dma_wait3A] : memref<2x100000x16xf32, #tpu.memory_space<hbm>> -> memref<1x6160x16xf32, #tpu.memory_space<hbm>>
        %dma_wait3A_37 = tpu.memref_squeeze %dma_wait3A_36 : memref<1x6160x16xf32, #tpu.memory_space<hbm>> -> memref<6160x16xf32, #tpu.memory_space<hbm>>
        %dma_wait3A_38 = arith.constant 0 : i32
        %dma_wait3A_39 = tpu.memref_slice %arg7[%mul3A_29, %dma_wait3A_38] : memref<100000x16xf32, #tpu.memory_space<vmem_shared>> -> memref<6160x16xf32, #tpu.memory_space<vmem_shared>>
        tpu.wait_dma2 semaphore(%run_scoped3A : memref<!tpu.dma_semaphore, #tpu.memory_space<semaphore_mem>>) src(%dma_wait3A_39 : memref<6160x16xf32, #tpu.memory_space<vmem_shared>>) dst(%dma_wait3A_37 : memref<6160x16xf32, #tpu.memory_space<hbm>>)
        tpu.yield
      }) : () -> ()
    } else {
    }
    return
  }
}

module attributes {stable_mosaic.version = 14 : i64} {
  func.func @_mean_body(%arg0: i32, %arg1: memref<2x1000x16xf32, #tpu.memory_space<vmem>>, %arg2: memref<1000x16xf32, #tpu.memory_space<vmem>>) attributes {dimension_semantics = [#tpu.dimension_semantics<arbitrary>], iteration_bounds = array<i64: 100>, scalar_prefetch = 0 : i64, scratch_operands = 0 : i64, tpu.core_type = #tpu.core_type<tc>, window_params = [{transform_indices = @transform_0, window_bounds = array<i64: 2, 1000, 16>}, {transform_indices = @transform_1, window_bounds = array<i64: 1000, 16>}]} {
    %get3A = arith.constant 0 : index
    %get3A_0 = arith.constant 0 : index
    %get3A_1 = arith.constant 0 : index
    %get3A_2 = vector.load %arg1[%get3A, %get3A_0, %get3A_1] : memref<2x1000x16xf32, #tpu.memory_space<vmem>>, vector<1x1000x16xf32>
    %get3A_3 = vector.shape_cast %get3A_2 : vector<1x1000x16xf32> to vector<1000x16xf32>
    %get3A_4 = arith.constant 1 : index
    %get3A_5 = arith.constant 0 : index
    %get3A_6 = arith.constant 0 : index
    %get3A_7 = vector.load %arg1[%get3A_4, %get3A_5, %get3A_6] : memref<2x1000x16xf32, #tpu.memory_space<vmem>>, vector<1x1000x1xf32>
    %get3A_8 = vector.shape_cast %get3A_7 : vector<1x1000x1xf32> to vector<1000x1xf32>
    %max3A = arith.constant 1.000000e+00 : f32
    %max3A_9 = vector.broadcast %max3A : f32 to vector<1000x1xf32>
    %max3A_10 = arith.maximumf %get3A_8, %max3A_9 : vector<1000x1xf32>
    %div3A = vector.broadcast %max3A_10 : vector<1000x1xf32> to vector<1000x16xf32>
    %div3A_11 = arith.divf %get3A_3, %div3A : vector<1000x16xf32>
    %swap3A = arith.constant 0 : index
    %swap3A_12 = arith.constant 0 : index
    %swap3A_13 = vector.load %arg2[%swap3A, %swap3A_12] : memref<1000x16xf32, #tpu.memory_space<vmem>>, vector<1000x16xf32>
    tpu.vector_store %arg2[%swap3A, %swap3A_12], %div3A_11 {strides = array<i32>} : memref<1000x16xf32, #tpu.memory_space<vmem>>, vector<1000x16xf32>,
    return
  }
  func.func @transform_0(%arg0: i32) -> (i32, i32, i32) {
    %c0_i32 = arith.constant 0 : i32
    %c0_i32_0 = arith.constant 0 : i32
    %c0_i32_1 = arith.constant 0 : i32
    return %c0_i32, %arg0, %c0_i32_0 : i32, i32, i32
  }
  func.func @transform_1(%arg0: i32) -> (i32, i32) {
    %c0_i32 = arith.constant 0 : i32
    %c0_i32_0 = arith.constant 0 : i32
    return %arg0, %c0_i32 : i32, i32
  }
}

module attributes {stable_mosaic.version = 14 : i64} {
  func.func @_edge_body(%arg0: i32, %arg1: memref<1000x16xf32, #tpu.memory_space<vmem>>, %arg2: memref<1000x16xf32, #tpu.memory_space<vmem>>, %arg3: memref<16x128xf32, #tpu.memory_space<vmem>>, %arg4: memref<1x128xf32, #tpu.memory_space<vmem>>, %arg5: memref<128x128xf32, #tpu.memory_space<vmem>>, %arg6: memref<128x128xf32, #tpu.memory_space<vmem>>, %arg7: memref<1x128xf32, #tpu.memory_space<vmem>>, %arg8: memref<1000x128xf32, #tpu.memory_space<vmem>>) attributes {dimension_semantics = [#tpu.dimension_semantics<arbitrary>], iteration_bounds = array<i64: 100>, scalar_prefetch = 0 : i64, scratch_operands = 0 : i64, tpu.core_type = #tpu.core_type<tc>, window_params = [{transform_indices = @transform_0, window_bounds = array<i64: 1000, 16>}, {transform_indices = @transform_1, window_bounds = array<i64: 1000, 16>}, {pipeline_mode = #tpu.pipeline_mode<synchronous>, transform_indices = @transform_2, window_bounds = array<i64: 16, 128>}, {pipeline_mode = #tpu.pipeline_mode<synchronous>, transform_indices = @transform_3, window_bounds = array<i64: 1, 128>}, {pipeline_mode = #tpu.pipeline_mode<synchronous>, transform_indices = @transform_4, window_bounds = array<i64: 128, 128>}, {pipeline_mode = #tpu.pipeline_mode<synchronous>, transform_indices = @transform_5, window_bounds = array<i64: 128, 128>}, {pipeline_mode = #tpu.pipeline_mode<synchronous>, transform_indices = @transform_6, window_bounds = array<i64: 1, 128>}, {transform_indices = @transform_7, window_bounds = array<i64: 1000, 128>}]} {
    %get3A = arith.constant 0 : index
    %get3A_0 = arith.constant 0 : index
    %get3A_1 = vector.load %arg1[%get3A, %get3A_0] : memref<1000x16xf32, #tpu.memory_space<vmem>>, vector<1000x16xf32>
    %get3A_2 = arith.constant 0 : index
    %get3A_3 = arith.constant 0 : index
    %get3A_4 = vector.load %arg3[%get3A_2, %get3A_3] : memref<16x128xf32, #tpu.memory_space<vmem>>, vector<16x128xf32>
    %dot_general3A = arith.constant dense<0.000000e+00> : vector<1000x128xf32>
    %dot_general3A_5 = tpu.matmul %get3A_1, %get3A_4, %dot_general3A {dimension_numbers = #tpu.dot_dimension_numbers<[1], [0], [0], [1], [0, 0, 1, 1], [], []>, transpose_lhs_hint = false} : vector<1000x16xf32>, vector<16x128xf32>, vector<1000x128xf32> -> vector<1000x128xf32>
    %get3A_6 = arith.constant 0 : index
    %get3A_7 = arith.constant 0 : index
    %get3A_8 = vector.load %arg4[%get3A_6, %get3A_7] : memref<1x128xf32, #tpu.memory_space<vmem>>, vector<1x128xf32>
    %add3A = vector.broadcast %get3A_8 : vector<1x128xf32> to vector<1000x128xf32>
    %add3A_9 = arith.addf %dot_general3A_5, %add3A : vector<1000x128xf32>
    %max3A = arith.constant 0.000000e+00 : f32
    %max3A_10 = vector.broadcast %max3A : f32 to vector<1000x128xf32>
    %max3A_11 = arith.maximumf %add3A_9, %max3A_10 : vector<1000x128xf32>
    %get3A_12 = arith.constant 0 : index
    %get3A_13 = arith.constant 0 : index
    %get3A_14 = vector.load %arg2[%get3A_12, %get3A_13] : memref<1000x16xf32, #tpu.memory_space<vmem>>, vector<1000x16xf32>
    %get3A_15 = arith.constant 0 : index
    %get3A_16 = arith.constant 0 : index
    %get3A_17 = vector.load %arg3[%get3A_15, %get3A_16] : memref<16x128xf32, #tpu.memory_space<vmem>>, vector<16x128xf32>
    %dot_general3A_18 = arith.constant dense<0.000000e+00> : vector<1000x128xf32>
    %dot_general3A_19 = tpu.matmul %get3A_14, %get3A_17, %dot_general3A_18 {dimension_numbers = #tpu.dot_dimension_numbers<[1], [0], [0], [1], [0, 0, 1, 1], [], []>, transpose_lhs_hint = false} : vector<1000x16xf32>, vector<16x128xf32>, vector<1000x128xf32> -> vector<1000x128xf32>
    %get3A_20 = arith.constant 0 : index
    %get3A_21 = arith.constant 0 : index
    %get3A_22 = vector.load %arg4[%get3A_20, %get3A_21] : memref<1x128xf32, #tpu.memory_space<vmem>>, vector<1x128xf32>
    %add3A_23 = vector.broadcast %get3A_22 : vector<1x128xf32> to vector<1000x128xf32>
    %add3A_24 = arith.addf %dot_general3A_19, %add3A_23 : vector<1000x128xf32>
    %max3A_25 = arith.constant 0.000000e+00 : f32
    %max3A_26 = vector.broadcast %max3A_25 : f32 to vector<1000x128xf32>
    %max3A_27 = arith.maximumf %add3A_24, %max3A_26 : vector<1000x128xf32>
    %get3A_28 = arith.constant 0 : index
    %get3A_29 = arith.constant 0 : index
    %get3A_30 = vector.load %arg5[%get3A_28, %get3A_29] : memref<128x128xf32, #tpu.memory_space<vmem>>, vector<128x128xf32>
    %dot_general3A_31 = arith.constant dense<0.000000e+00> : vector<1000x128xf32>
    %dot_general3A_32 = tpu.matmul %max3A_11, %get3A_30, %dot_general3A_31 {dimension_numbers = #tpu.dot_dimension_numbers<[1], [0], [0], [1], [0, 0, 1, 1], [], []>, transpose_lhs_hint = false} : vector<1000x128xf32>, vector<128x128xf32>, vector<1000x128xf32> -> vector<1000x128xf32>
    %get3A_33 = arith.constant 0 : index
    %get3A_34 = arith.constant 0 : index
    %get3A_35 = vector.load %arg6[%get3A_33, %get3A_34] : memref<128x128xf32, #tpu.memory_space<vmem>>, vector<128x128xf32>
    %dot_general3A_36 = arith.constant dense<0.000000e+00> : vector<1000x128xf32>
    %dot_general3A_37 = tpu.matmul %max3A_27, %get3A_35, %dot_general3A_36 {dimension_numbers = #tpu.dot_dimension_numbers<[1], [0], [0], [1], [0, 0, 1, 1], [], []>, transpose_lhs_hint = false} : vector<1000x128xf32>, vector<128x128xf32>, vector<1000x128xf32> -> vector<1000x128xf32>
    %add3A_38 = arith.addf %dot_general3A_32, %dot_general3A_37 : vector<1000x128xf32>
    %get3A_39 = arith.constant 0 : index
    %get3A_40 = arith.constant 0 : index
    %get3A_41 = vector.load %arg7[%get3A_39, %get3A_40] : memref<1x128xf32, #tpu.memory_space<vmem>>, vector<1x128xf32>
    %add3A_42 = vector.broadcast %get3A_41 : vector<1x128xf32> to vector<1000x128xf32>
    %add3A_43 = arith.addf %add3A_38, %add3A_42 : vector<1000x128xf32>
    %swap3A = arith.constant 0 : index
    %swap3A_44 = arith.constant 0 : index
    %swap3A_45 = vector.load %arg8[%swap3A, %swap3A_44] : memref<1000x128xf32, #tpu.memory_space<vmem>>, vector<1000x128xf32>
    tpu.vector_store %arg8[%swap3A, %swap3A_44], %add3A_43 {strides = array<i32>} : memref<1000x128xf32, #tpu.memory_space<vmem>>, vector<1000x128xf32>,
    return
  }
  func.func @transform_0(%arg0: i32) -> (i32, i32) {
    %c0_i32 = arith.constant 0 : i32
    %c0_i32_0 = arith.constant 0 : i32
    return %arg0, %c0_i32 : i32, i32
  }
  func.func @transform_1(%arg0: i32) -> (i32, i32) {
    %c0_i32 = arith.constant 0 : i32
    %c0_i32_0 = arith.constant 0 : i32
    return %arg0, %c0_i32 : i32, i32
  }
  func.func @transform_2(%arg0: i32) -> (i32, i32) {
    %c0_i32 = arith.constant 0 : i32
    %c0_i32_0 = arith.constant 0 : i32
    %c0_i32_1 = arith.constant 0 : i32
    return %c0_i32, %c0_i32_0 : i32, i32
  }
  func.func @transform_3(%arg0: i32) -> (i32, i32) {
    %c0_i32 = arith.constant 0 : i32
    %c0_i32_0 = arith.constant 0 : i32
    %c0_i32_1 = arith.constant 0 : i32
    return %c0_i32, %c0_i32_0 : i32, i32
  }
  func.func @transform_4(%arg0: i32) -> (i32, i32) {
    %c0_i32 = arith.constant 0 : i32
    %c0_i32_0 = arith.constant 0 : i32
    %c0_i32_1 = arith.constant 0 : i32
    return %c0_i32, %c0_i32_0 : i32, i32
  }
  func.func @transform_5(%arg0: i32) -> (i32, i32) {
    %c0_i32 = arith.constant 0 : i32
    %c0_i32_0 = arith.constant 0 : i32
    %c0_i32_1 = arith.constant 0 : i32
    return %c0_i32, %c0_i32_0 : i32, i32
  }
  func.func @transform_6(%arg0: i32) -> (i32, i32) {
    %c0_i32 = arith.constant 0 : i32
    %c0_i32_0 = arith.constant 0 : i32
    %c0_i32_1 = arith.constant 0 : i32
    return %c0_i32, %c0_i32_0 : i32, i32
  }
  func.func @transform_7(%arg0: i32) -> (i32, i32) {
    %c0_i32 = arith.constant 0 : i32
    %c0_i32_0 = arith.constant 0 : i32
    return %arg0, %c0_i32 : i32, i32
  }
}

</mosaic_0001>

<sc_bundles>
// kernel: gather_offload_async_start.1
scs
__scs_entry_jumppad:
0x0: {  	(pc) =	sbr.rel $0x88, $3  }
0x1: {  	(tag) =	ssettag $0x0;
	lr =	simm.s32 $0x1  }
0x2: {  	[smem:$0x3F9A] =	sst lr;
	_ =	strace $0xD0000000  }
0x3: {  	_ = 	snop  }
0x4: {  	_ = 	snop  }
0x5: {  	_ = 	snop  }
0x6: {  	_ = 	snop  }
0x7: {  	_ = 	snop  }
__scs_overlays_trampoline_lowered:
0x8: {  	[smem:$0x3FA9] =	sst s0  }
0x9: {  	[smem:$0x3FAA] =	sst s1  }
0xa: {  	[smem:$0x3FAB] =	sst s2  }
0xb: {  	[smem:$0x3FAC] =	sst s3  }
0xc: {  	[smem:$0x3FAD] =	sst s4  }
0xd: {  	[smem:$0x3FAE] =	sst s5  }
0xe: {  	[smem:$0x3FAF] =	sst s6  }
0xf: {  	[smem:$0x3FB0] =	sst s7  }
0x10: {  	[smem:$0x3FB1] =	sst s8  }
0x11: {  	[smem:$0x3FB2] =	sst s9;
	s0 =	simm.s32 @!p0 $0x0  }
0x12: {  	s1 =	sld [smem:$0x3F98];
	s0 =	simm.s32 @p0 $0x1  }
0x13: {  	[smem:$0x3FB3] =	sst s0;
	s0 =	simm.s32 @!p1 $0x0  }
0x14: {  	s2 =	sld [smem:$0x3F97];
	s0 =	simm.s32 @p1 $0x1  }
0x15: {  	[smem:$0x3FB4] =	sst s0;
	s0 =	simm.s32 @!p2 $0x0  }
0x16: {  	s3 =	sld [smem:$0x3FDB];
	s0 =	simm.s32 @p2 $0x1  }
0x17: {  	s4 =	simm.s32 $0x1BF5;
	[smem:$0x3FB6] =	sst s0  }
0x18: {  	s0 =	sld [smem:$0x3F99];
	_ =	swait.ge [sflag:s4], $0x0  }
0x19: {  	s7 =	sld [smem:$0x3F9A]  }
0x1a: {  	s8 =	sadd.s32 $0xFFFFE003, lr  }
0x1b: {  	s9 =	sadd.s32 $0xFFFFFEF7, lr;
	s5 =	simm.s32 $0xFFFFFFFF;
	p2 =	slt.u32 s8, $0xFFFFF086  }
0x1c: {  	p1 =	slt.u32 s9, $0xF7A;
	s5 =	simm.s32 @!p2 $0x0  }
0x1d: {  	s5 =	simm.s32 @p1 $0x1;
	p0 =	seq.s32 s7, s2  }
0x1e: {  	s7 =	smul.u32 @!p0 $0xF7A, s2;
	p2 =	seq.s32 @!p0 s5, $0x0  }
0x1f: {  	s9 =	smul.u32 $0xF7A, s1;
	s8 =	simm.s32 @!p0 $0x1BF5;
	p2 =	por !p2, p0  }
0x20: {  	[sflag:s8] =	ssyncset.s32 @!p0 $0xFFFFF086;
	s6 =	sadd.s32 @!p0 s3, s7;
	s7 =	simm.s32 @!p0 $0x108  }
0x21: {  	s3 =	sadd.s32 s3, s9;
	s6 =	sadd.s32 @!p0 $0x88, s6;
	s7 =	simm.s32 @p2 $0x1082  }
0x22: {  	[simem:s7], [sflag:s8] =	dma.local @!p0 [hbm:s6], $0xF7A  }
0x23: {  	s9 =	sor.u32 $0xD0000000, s2;
	s6 =	simm.s32 $0x108;
	_ =	swait.ge @!p0 [sflag:s8], $0x0  }
0x24: {  	s3 =	sadd.s32 $0x88, s3;
	s6 =	simm.s32 @!p1 $0x1082;
	[sflag:s4] =	ssyncset.s32 $0xFFFFF086  }
0x25: {  	[simem:s6], [sflag:s4] =	dma.local [hbm:s3], $0xF7A  }
0x26: {  	[smem:$0x3F9A] =	sst s1;
	(tag) =	ssettag s2;
	_ =	strace s9  }
0x27: {  	s1 =	sld [smem:$0x3FAA]  }
0x28: {  	s2 =	sld [smem:$0x3FAB]  }
0x29: {  	s4 =	sld [smem:$0x3FAD]  }
0x2a: {  	p0 =	seq.s32 s5, $0x0;
	s5 =	sld [smem:$0x3FAE]  }
0x2b: {  	s6 =	sld [smem:$0x3FAF]  }
0x2c: {  	s7 =	sld [smem:$0x3FB0]  }
0x2d: {  	s3 =	simm.s32 $0x108;
	s8 =	sld [smem:$0x3FB1]  }
0x2e: {  	s3 =	simm.s32 @!p0 $0x1082;
	s9 =	sld [smem:$0x3FB2]  }
0x2f: {  	lr =	sadd.s32 s0, s3;
	s0 =	sld [smem:$0x3FA9]  }
0x30: {  	s3 =	sld [smem:$0x3FAC]  }
0x31: {  	[smem:$0x3FB5] =	sst s10  }
0x32: {  	s10 =	sld [smem:$0x3FB3];
	_ =	sdelay $0x3  }
0x33: {  	p0 =	seq.s32 s10, $0x1;
	s10 =	sld [smem:$0x3FB5];
	_ =	sdelay $0x3  }
0x34: {  	[smem:$0x3FB5] =	sst s10  }
0x35: {  	s10 =	sld [smem:$0x3FB4];
	_ =	sdelay $0x3  }
0x36: {  	p1 =	seq.s32 s10, $0x1;
	s10 =	sld [smem:$0x3FB5];
	_ =	sdelay $0x3  }
0x37: {  	[smem:$0x3FB5] =	sst s10  }
0x38: {  	s10 =	sld [smem:$0x3FB6]  }
0x39: {  	_ = 	snop;
	(pc) =	sbr.ind lr, $3  }
0x3a: {  	_ = 	snop  }
0x3b: {  	_ = 	snop  }
0x3c: {  	p2 =	seq.s32 s10, $0x1;
	s10 =	sld [smem:$0x3FB5]  }
0x3d: {  	_ =	shalt  }
0x3e: {  	_ =	shalt  }
0x3f: {  	_ =	shalt  }
0x40: {  	_ =	shalt  }
0x41: {  	_ =	shalt  }
0x42: {  	_ =	shalt  }
0x43: {  	_ =	shalt  }
0x44: {  	_ =	shalt  }
0x45: {  	_ =	shalt  }
0x46: {  	_ =	shalt  }
0x47: {  	_ =	shalt  }
0x48: {  	_ =	shalt  }
0x49: {  	_ =	shalt  }
0x4a: {  	_ =	shalt  }
0x4b: {  	_ =	shalt  }
0x4c: {  	_ =	shalt  }
0x4d: {  	_ =	shalt  }
0x4e: {  	_ =	shalt  }
0x4f: {  	_ =	shalt  }
0x50: {  	_ =	shalt  }
0x51: {  	_ =	shalt  }
0x52: {  	_ =	shalt  }
0x53: {  	_ =	shalt  }
0x54: {  	_ =	shalt  }
0x55: {  	_ =	shalt  }
0x56: {  	_ =	shalt  }
0x57: {  	_ =	shalt  }
0x58: {  	_ =	shalt  }
0x59: {  	_ =	shalt  }
0x5a: {  	_ =	shalt  }
0x5b: {  	_ =	shalt  }
0x5c: {  	_ =	shalt  }
0x5d: {  	_ =	shalt  }
0x5e: {  	_ =	shalt  }
0x5f: {  	_ =	shalt  }
0x60: {  	_ =	shalt  }
0x61: {  	_ =	shalt  }
0x62: {  	_ =	shalt  }
0x63: {  	_ =	shalt  }
0x64: {  	_ =	shalt  }
0x65: {  	_ =	shalt  }
0x66: {  	_ =	shalt  }
0x67: {  	_ =	shalt  }
0x68: {  	_ =	shalt  }
0x69: {  	_ =	shalt  }
0x6a: {  	_ =	shalt  }
0x6b: {  	_ =	shalt  }
0x6c: {  	_ =	shalt  }
0x6d: {  	_ =	shalt  }
0x6e: {  	_ =	shalt  }
0x6f: {  	_ =	shalt  }
0x70: {  	_ =	shalt  }
0x71: {  	_ =	shalt  }
0x72: {  	_ =	shalt  }
0x73: {  	_ =	shalt  }
0x74: {  	_ =	shalt  }
0x75: {  	_ =	shalt  }
0x76: {  	_ =	shalt  }
0x77: {  	_ =	shalt  }
0x78: {  	_ =	shalt  }
0x79: {  	_ =	shalt  }
0x7a: {  	_ =	shalt  }
0x7b: {  	_ =	shalt  }
0x7c: {  	_ =	shalt  }
0x7d: {  	_ =	shalt  }
0x7e: {  	_ =	shalt  }
0x7f: {  	_ =	shalt  }
0x80: {  	_ =	shalt  }
0x81: {  	_ =	shalt  }
0x82: {  	_ =	shalt  }
0x83: {  	_ =	shalt  }
0x84: {  	_ =	shalt  }
0x85: {  	_ =	shalt  }
0x86: {  	_ =	shalt  }
0x87: {  	_ =	shalt  }
.Lfunc_end0:
.L_simem_size_0:
called_computation.1_lowered:
.L_overlay_start_0:
0x88: {  	s2 =	sld [smem:$0x3FD9]  }
0x89: {  	s3 =	sld [smem:$0x3FFE];
	_ =	sdelay $0x1  }
0x8a: {  	s1 =	srdreg.scid  }
0x8b: {  	s0 =	sand.u32 $0x1, s1  }
0x8c: {  	s16 =	sshll.u32 s0, $0xA;
	s2 =	sadd.s32 s3, s2  }
0x8d: {  	s2 =	sadd.s32 s2, s16  }
0x8e: {  	[smem:$0x3FC1] =	sst s2  }
0x8f: {  	_ = 	snop  }
0x90: {  	(tm) =	ssettm $0x1  }
0x91: {  	s17 =	sld [smem:$0x3FFB];
	_ =	sdelay $0x3  }
0x92: {  	_ =	strace s17  }
0x93: {  	s2 =	sld [smem:$0x3FFC];
	_ =	sdelay $0x3  }
0x94: {  	_ =	strace s2  }
0x95: {  	s2 =	sld [smem:$0x3FFD];
	_ =	sdelay $0x3  }
0x96: {  	_ =	strace s2  }
0x97: {  	_ =	strace $0x8FFFFFFF  }
0x98: {  	s18 =	sld [smem:$0x3FDB];
	_ =	sdelay $0x1  }
0x99: {  	s19 =	simm.s32 $_scs_section_size  }
0x9a: {  	s4 =	simm.s32 $_size__tile_overlayer_lowered;
	s5 =	simm.s32 $_tile_overlayer_lowered  }
0x9b: {  	s22 =	simm.s32 $0x1BFF;
	s21 =	sshll.u32 s5, $0x1;
	s2 =	sadd.s32 s19, s18  }
0x9c: {  	s6 =	simm.s32 $0x0;
	s20 =	sshll.u32 s4, $0x1;
	s4 =	sadd.s32 s21, s2  }
0x9d: {  	[timem:s6], [sflag:s22] =	dma.local [hbm:s4], s20  }
0x9e: {  	_ =	swait.ge [sflag:s22], s20  }
0x9f: {  	s3 =	ssub.s32 $0x0, s20;
	[sflag:s22] =	ssyncset.done $0x0  }
0xa0: {  	[sflag:s22] =	ssyncadd.s32 s3;
	_ =	sdelay $0x1  }
0xa1: {  	s23 =	simm.s32 $0x1B8B  }
0xa2: {  	_ =	swait.ge [sflag:s23], $0x1  }
0xa3: {  	[sflag:s23] =	ssyncset.done $0x0  }
0xa4: {  	s25 =	simm.s32 $0x1B8E;
	s24 =	sld [smem:$0x3FFE];
	[sflag:s23] =	ssyncadd.s32 $0xFFFFFFFF  }
0xa5: {  	s26 =	simm.s32 $execute0_lowered;
	[smem:$0x3FD2] =	sst s25  }
0xa6: {  	s4 =	sshll.u32 s26, $0x1;
	_ =	strace $0x80000049;
	[dreg:$0x1] =	wrdreg $0xFFFFFFFF  }
0xa7: {  	s28 =	simm.s32 $_size_execute0_lowered;
	s2 =	sadd.s32 s2, s4;
	[dreg:$0x0] =	wrdreg $0x0  }
0xa8: {  	s4 =	sshll.u32 s28, $0x1;
	[dreg:$0x2] =	wrdreg s2  }
0xa9: {  	[dreg:$0x3] =	wrdreg s4  }
0xaa: {  	[dreg:$0x4] =	wrdreg $0xC0  }
0xab: {  	_ =	task [dreg:s6], $0x5FFFF  }
0xac: {  	[dreg:$0x1] =	wrdreg $0xFFFFFFFF  }
0xad: {  	[dreg:$0x0] =	wrdreg $0x60  }
0xae: {  	[dreg:$0x2] =	wrdreg s24  }
0xaf: {  	[dreg:$0x3] =	wrdreg $0xA  }
0xb0: {  	_ =	task.clear_ibuf [dreg:s6], $0x4FFFF;
	_ =	strace $0x90000049  }
0xb1: {  	s29 =	simm.s32 $0xA;
	_ =	strace $0x8000004B  }
0xb2: {  	_ =	swait.ge [sflag:s29], $0x1  }
0xb3: {  	[sflag:s29] =	ssyncadd.s32 $0xFFFFFFFF  }
0xb4: {  	_ =	strace $0x9000004B  }
0xb5: {  	_ =	sfence  }
0xb6: {  	s30 =	sld [smem:$0x0];
	_ =	sdelay $0x2  }
0xb7: {  	s31 =	sshll.u32 s1, $0xD;
	s1 =	sshrl.u32 s1, $0x2  }
0xb8: {  	s3 =	sand.u32 $0x4000, s31;
	s1 =	sadd.s32 s1, s30  }
0xb9: {  	s0 =	sor.u32 s3, s0;
	s1 =	sshll.u32 s1, $0x11  }
0xba: {  	s0 =	sor.u32 s1, s0  }
0xbb: {  	s0 =	sadd.s32 $0x8F2B, s0  }
0xbc: {  	[sflag:s0] =	ssyncadd.remote.s32 $0x1  }
0xbd: {  	_ =	sfence.sel $0xFFFF  }
0xbe: {  	[dreg:$0x0] =	wrdreg $0xFFFFFFFF;
	(pc) =	sbr.abs _section_cstart, $3  }
0xbf: {  	[dreg:$0x1] =	wrdreg $0xFFFFFFFF  }
0xc0: {  	_ =	task.clear_ibuf [dreg:s6], $0x2FFFF;
	_ =	strace $0x9FFFFFFF  }
0xc1: {  	(tm) =	ssettm $0x7FFFFFFF  }
tec
execute0_lowered:
.L_overlay_start_1:
0x0: {  	(tag) =	ssettag $0x1  }
0x1: {  	s8 =	rddreg [dreg:$0x0];
	s1 =	stileid.u32  }
0x2: {  	s2 =	srdreg.scid;
	s0 =	rddreg [dreg:$0x1]  }
0x3: {  	_ =	strace $0x8000004A;
	s5 =	simm.s32 $0x1;
	s9 =	simm.s32 $0x1  }
0x4: {  	s10 =	simm.s32 $0x3;
	s2 =	sand.u32 $0x1, s2;
	s3 =	sshll.u32 s1, $0x1  }
0x5: {  	s13 =	simm.s32 $0x0;
	s12 =	simm.s32 $0x0;
	s6 =	sor.u32 s3, s2  }
0x6: {  	[sflag:s5] =	ssyncpa.u1 $0x0;
	s2 =	sadd.s32 $0x66400, s8;
	s4 =	smul.u32 $0xA00, s6  }
0x7: {  	s3 =	sadd.s32 $0x6C800, s8;
	p0 =	slt.u32 s6, $0x9;
	s6 =	simm.s32 $0x14000  }
.Ltmp0:
0x8: {  	s6 =	simm.s32 @!p0 $0x0;
	s7 =	ssub.s32 $0x19000, s4;
	(pc) =	sbr.rel .LBB2_1-.Ltmp0, $4  }
0x9: {  	s9 =	simm.s32 @!p0 $0x0;
	p0 =	sne.s32 s7, s6;
	s7 =	simm.s32 $0x1  }
0xa: {  	s8 =	sadd.s32 $0x1400, s8;
	s6 =	simm.s32 $0x2;
	s7 =	simm.s32 @!p0 $0x0  }
0xb: {  	s11 =	smov.u32 s4;
	[sflag:s6] =	ssyncpa.u1 $0x0;
	s7 =	sadd.s32 s9, s7  }
0xc: {  	vm0 =	vmmov $0xffff;
	[sflag:s10] =	ssyncpa.u1 $0x0;
	s10 =	simm.s32 $0x0;
	s9 =	sadd.s32 $0x1, s7  }
.LBB2_4:
0xd: {  	v2 =	vnsel vm1, $0x0, v2  }
0xe: {  	vm1 =	vgt.s32 v0, $0x0;
	v2 =	vmin.u32 v2, $0x18747  }
0xf: {  	v0 =	vnsel vm1, $0x0, v0  }
0x10: {  	v0 =	vmin.u32 v0, $0x18747  }
0x11: {  	[tilespmem:s18], [sflag:$0x1] =	stream.indirect_vreg.gather [hbm4b:s2+s10], $0x1, v1, vm0, $0x4038;
	[tilespmem:$0x2800] =	vst v63  }
0x12: {  	(ifvalue) =	ssetifvalue $0x7FFFFFFF  }
0x13: {  	[tilespmem:s15], [sflag:$0x1] =	stream.indirect_vreg.gather [hbm4b:s2+s10], $0x1, v2, vm0, $0x4038;
	[tilespmem:$0x2800] =	vst v63  }
0x14: {  	s29 =	sadd.s32 $0x10, s15;
	(ifvalue) =	ssetifvalue $0x7FFFFFFF  }
0x15: {  	[tilespmem:s29], [sflag:$0x1] =	stream.indirect_vreg.gather [hbm4b:s2+s10], $0x1, v0, vm0, $0x4038;
	[tilespmem:$0x2800] =	vst v63  }
0x16: {  	_ =	swait.ge [sflag:s5], $0xA00  }
0x17: {  	s30 =	sshrl.u32 s13, $0x3;
	[sflag:s5] =	ssyncset.done $0x0  }
0x18: {  	s31 =	sand.u32 $0x7, s13;
	s15 =	sadd.s32 s8, s30;
	[sflag:s5] =	ssyncadd.s32 $0xFFFFF600  }
0x19: {  	[hbm4b:s15+s31] =	stream.linear.scatter [tilespmem:s14], [sflag:$0x3], $0xA00, $0x38;
	[tilespmem:$0x2800] =	vst v63  }
.LBB2_5:
0x1a: {  	s15 =	sadd.s32 $0x14000, s11  }
0x1b: {  	p1 =	sgt.s32 s15, $0x18FFF  }
0x1c: {  	s15 =	smov.u32 @p1 s4;
	p1 =	sne.s32 s12, s9  }
.Ltmp1:
0x1d: {  	p0 =	slt.u32 s12, $0x2;
	(pc) =	sbr.rel @!p1 .LBB2_6-.Ltmp1, $4  }
0x1e: {  	s14 =	simm.s32 @!p0 $0x3  }
0x1f: {  	_ =	swait.ge @!p0 [sflag:s14], $0xA00  }
0x20: {  	s16 =	sadd.s32 $0x1, s12;
	s13 =	smov.u32 s11;
	[sflag:s14] =	ssyncset.done @!p0 $0x0  }
0x21: {  	s12 =	smov.u32 s16;
	s11 =	smov.u32 s15;
	[sflag:s14] =	ssyncadd.s32 @!p0 $0xFFFFF600  }
.LBB2_1:
0x22: {  	p0 =	sge.u32 s12, s7  }
0x23: {  	s14 =	sxor.u32 @!p0 $0x1, s12  }
0x24: {  	s14 =	smul.u32 @!p0 $0x2800, s14  }
0x25: {  	s31 =	sadd.s32 $0xFFFFFFFF, s12;
	s15 =	sshrl.u32 @!p0 s11, $0x3  }
0x26: {  	s16 =	sand.u32 @!p0 $0x7, s11;
	s15 =	sadd.s32 @!p0 s3, s15;
	s14 =	sshra.s32 @!p0 s14, $0x2  }
0x27: {  	[tilespmem:s14], [sflag:$0x2] =	stream.linear.gather @!p0 [hbm4b:s15+s16], $0xA00, $0x38;
	[tilespmem:$0x2800] =	vst v63  }
0x28: {  	p0 =	sge.u32 s31, s7  }
.Ltmp2:
0x29: {  	_ = 	snop;
	(pc) =	sbr.rel @p0 .LBB2_5-.Ltmp2, $1  }
0x2a: {  	_ =	sdelay $0x3  }
0x2b: {  	s14 =	sand.u32 $0x1, s12  }
0x2c: {  	_ =	swait.ge [sflag:s6], $0xA00;
	p0 =	seq.s32 s14, $0x1;
	s14 =	simm.s32 $0xA00  }
0x2d: {  	[sflag:s6] =	ssyncset.done $0x0;
	s14 =	simm.s32 @!p0 $0x0  }
0x2e: {  	[sflag:s6] =	ssyncadd.s32 $0xFFFFF600;
	(ifvalue) =	ssetifvalue $0x7FFFFFFF;
	v0 =	vld.msk [tilespmem:s14+$0x0 ss:$0x1], $0xffff;
	_ =	sdelay $0x4  }
0x2f: {  	s15 =	sadd.s32 $0x10, s14;
	vm1 =	vgt.s32 v0, $0x0  }
0x30: {  	v2 =	vld.msk [tilespmem:s15+$0x0 ss:$0x1], $0xffff;
	v1 =	vnsel vm1, $0x0, v0  }
0x31: {  	v1 =	vmin.u32 v1, $0x18747;
	_ =	sdelay $0x2  }
0x32: {  	s17 =	simm.s32 $0x20;
	s14 =	sor.u32 $0x1400, s14;
	s16 =	sadd.s32 $0x10, s15  }
0x33: {  	s15 =	sadd.s32 $0x10, s14;
	s18 =	smov.u32 s14;
	v0 =	vld.msk [tilespmem:s16+$0x0 ss:$0x1], $0xffff;
	vm1 =	vgt.s32 v2, $0x0;
	(ifvalue) =	ssetifvalue $0x7FFFFFFF  }
.LBB2_3:
0x34: {  	[tilespmem:s18], [sflag:$0x1] =	stream.indirect_vreg.gather [hbm4b:s2+s10], $0x1, v1, vm0, $0x4038;
	[tilespmem:$0x2800] =	vst v63  }
0x35: {  	s17 =	sadd.s32 $0x10, s17  }
0x36: {  	v2 =	vnsel vm1, $0x0, v2;
	p0 =	slt.u32 s17, $0x9F0  }
.Ltmp3:
0x37: {  	s18 =	smov.u32 s15;
	v1 =	vmin.u32 v2, $0x18747;
	(pc) =	sbr.rel @p0 .LBB2_3-.Ltmp3, $3  }
0x38: {  	_ =	sdelay $0x1  }
0x39: {  	s16 =	sadd.s32 $0x10, s16  }
0x3a: {  	vm1 =	vgt.s32 v0, $0x0;
	s15 =	sadd.s32 $0x10, s15;
	v2 =	vmov v0;
	(ifvalue) =	ssetifvalue $0x7FFFFFFF;
	v0 =	vld.msk [tilespmem:s16+$0x0 ss:$0x1], $0xffff  }
.Ltmp4:
0x3b: {  	_ = 	snop;
	(pc) =	sbr.rel .LBB2_4-.Ltmp4, $1  }
0x3c: {  	_ =	sdelay $0x3  }
.LBB2_6:
0x3d: {  	_ =	sfence.sel $0x180000  }
0x3e: {  	s2 =	simm.s32 $0x2;
	[bflag:$0x0] =	sbarrier.arrive $0xFFFF  }
0x3f: {  	s30 =	simm.s32 $0x3;
	[sflag:s2] =	ssyncpa.u1 $0x1  }
0x40: {  	s31 =	simm.s32 $0x1;
	[sflag:s30] =	ssyncpa.u1 $0x1  }
0x41: {  	[sflag:s31] =	ssyncpa.u1 $0x1  }
0x42: {  	p0 =	sne.s32 s1, $0x0;
	_ =	strace $0x9000004A  }
0x43: {  	s0 =	sadd.s32 @!p0 $0x100000, s0;
	[bflag:$0x2] =	sbarrier.arrive $0xFFFF  }
0x44: {  	[sflag:s0] =	ssyncadd.tile.s32 @!p0 $0x1;
	_ =	shalt  }
.Lfunc_end2:
_tile_overlayer_lowered:
.L_overlay_start_2:
0x45: {  	(tag) =	ssettag $0x2  }
0x46: {  	s0 =	rddreg [dreg:$0x0];
	s2 =	stileid.u32  }
0x47: {  	s1 =	rddreg [dreg:$0x1];
	p0 =	sne.s32 s2, $0x0  }
0x48: {  	s3 =	rddreg [dreg:$0x2];
	[bflag:$0x3] =	sbarrier.arrive $0xFFFF;
	s2 =	simm.s32 @!p0 $0x1C01  }
0x49: {  	[timem:s3], [sflag:s2] =	dma.local @!p0 [hbm:s0], s1  }
0x4a: {  	s0 =	simm.s32 @!p0 $0x1  }
0x4b: {  	_ =	swait.ge @!p0 [sflag:s0], s1  }
0x4c: {  	s1 =	ssub.s32 @!p0 $0x0, s1;
	[sflag:s0] =	ssyncset.done @!p0 $0x0  }
0x4d: {  	[sflag:s0] =	ssyncadd.s32 @!p0 s1  }
0x4e: {  	[bflag:$0x3] =	sbarrier.arrive $0xFFFF  }
0x4f: {  	_ =	shalt  }

// kernel: gather_offload_async_start
scs
__scs_entry_jumppad:
0x0: {  	(pc) =	sbr.rel $0x88, $3  }
0x1: {  	(tag) =	ssettag $0x0;
	lr =	simm.s32 $0x1  }
0x2: {  	[smem:$0x3F9A] =	sst lr;
	_ =	strace $0xD0000000  }
0x3: {  	_ = 	snop  }
0x4: {  	_ = 	snop  }
0x5: {  	_ = 	snop  }
0x6: {  	_ = 	snop  }
0x7: {  	_ = 	snop  }
__scs_overlays_trampoline_lowered:
0x8: {  	[smem:$0x3FA9] =	sst s0  }
0x9: {  	[smem:$0x3FAA] =	sst s1  }
0xa: {  	[smem:$0x3FAB] =	sst s2  }
0xb: {  	[smem:$0x3FAC] =	sst s3  }
0xc: {  	[smem:$0x3FAD] =	sst s4  }
0xd: {  	[smem:$0x3FAE] =	sst s5  }
0xe: {  	[smem:$0x3FAF] =	sst s6  }
0xf: {  	[smem:$0x3FB0] =	sst s7  }
0x10: {  	[smem:$0x3FB1] =	sst s8  }
0x11: {  	[smem:$0x3FB2] =	sst s9;
	s0 =	simm.s32 @!p0 $0x0  }
0x12: {  	s1 =	sld [smem:$0x3F98];
	s0 =	simm.s32 @p0 $0x1  }
0x13: {  	[smem:$0x3FB3] =	sst s0;
	s0 =	simm.s32 @!p1 $0x0  }
0x14: {  	s2 =	sld [smem:$0x3F97];
	s0 =	simm.s32 @p1 $0x1  }
0x15: {  	[smem:$0x3FB4] =	sst s0;
	s0 =	simm.s32 @!p2 $0x0  }
0x16: {  	s3 =	sld [smem:$0x3FDB];
	s0 =	simm.s32 @p2 $0x1  }
0x17: {  	s4 =	simm.s32 $0x1BF5;
	[smem:$0x3FB6] =	sst s0  }
0x18: {  	s0 =	sld [smem:$0x3F99];
	_ =	swait.ge [sflag:s4], $0x0  }
0x19: {  	s7 =	sld [smem:$0x3F9A]  }
0x1a: {  	s8 =	sadd.s32 $0xFFFFE003, lr  }
0x1b: {  	s9 =	sadd.s32 $0xFFFFFEF7, lr;
	s5 =	simm.s32 $0xFFFFFFFF;
	p2 =	slt.u32 s8, $0xFFFFF086  }
0x1c: {  	p1 =	slt.u32 s9, $0xF7A;
	s5 =	simm.s32 @!p2 $0x0  }
0x1d: {  	s5 =	simm.s32 @p1 $0x1;
	p0 =	seq.s32 s7, s2  }
0x1e: {  	s7 =	smul.u32 @!p0 $0xF7A, s2;
	p2 =	seq.s32 @!p0 s5, $0x0  }
0x1f: {  	s9 =	smul.u32 $0xF7A, s1;
	s8 =	simm.s32 @!p0 $0x1BF5;
	p2 =	por !p2, p0  }
0x20: {  	[sflag:s8] =	ssyncset.s32 @!p0 $0xFFFFF086;
	s6 =	sadd.s32 @!p0 s3, s7;
	s7 =	simm.s32 @!p0 $0x108  }
0x21: {  	s3 =	sadd.s32 s3, s9;
	s6 =	sadd.s32 @!p0 $0x88, s6;
	s7 =	simm.s32 @p2 $0x1082  }
0x22: {  	[simem:s7], [sflag:s8] =	dma.local @!p0 [hbm:s6], $0xF7A  }
0x23: {  	s9 =	sor.u32 $0xD0000000, s2;
	s6 =	simm.s32 $0x108;
	_ =	swait.ge @!p0 [sflag:s8], $0x0  }
0x24: {  	s3 =	sadd.s32 $0x88, s3;
	s6 =	simm.s32 @!p1 $0x1082;
	[sflag:s4] =	ssyncset.s32 $0xFFFFF086  }
0x25: {  	[simem:s6], [sflag:s4] =	dma.local [hbm:s3], $0xF7A  }
0x26: {  	[smem:$0x3F9A] =	sst s1;
	(tag) =	ssettag s2;
	_ =	strace s9  }
0x27: {  	s1 =	sld [smem:$0x3FAA]  }
0x28: {  	s2 =	sld [smem:$0x3FAB]  }
0x29: {  	s4 =	sld [smem:$0x3FAD]  }
0x2a: {  	p0 =	seq.s32 s5, $0x0;
	s5 =	sld [smem:$0x3FAE]  }
0x2b: {  	s6 =	sld [smem:$0x3FAF]  }
0x2c: {  	s7 =	sld [smem:$0x3FB0]  }
0x2d: {  	s3 =	simm.s32 $0x108;
	s8 =	sld [smem:$0x3FB1]  }
0x2e: {  	s3 =	simm.s32 @!p0 $0x1082;
	s9 =	sld [smem:$0x3FB2]  }
0x2f: {  	lr =	sadd.s32 s0, s3;
	s0 =	sld [smem:$0x3FA9]  }
0x30: {  	s3 =	sld [smem:$0x3FAC]  }
0x31: {  	[smem:$0x3FB5] =	sst s10  }
0x32: {  	s10 =	sld [smem:$0x3FB3];
	_ =	sdelay $0x3  }
0x33: {  	p0 =	seq.s32 s10, $0x1;
	s10 =	sld [smem:$0x3FB5];
	_ =	sdelay $0x3  }
0x34: {  	[smem:$0x3FB5] =	sst s10  }
0x35: {  	s10 =	sld [smem:$0x3FB4];
	_ =	sdelay $0x3  }
0x36: {  	p1 =	seq.s32 s10, $0x1;
	s10 =	sld [smem:$0x3FB5];
	_ =	sdelay $0x3  }
0x37: {  	[smem:$0x3FB5] =	sst s10  }
0x38: {  	s10 =	sld [smem:$0x3FB6]  }
0x39: {  	_ = 	snop;
	(pc) =	sbr.ind lr, $3  }
0x3a: {  	_ = 	snop  }
0x3b: {  	_ = 	snop  }
0x3c: {  	p2 =	seq.s32 s10, $0x1;
	s10 =	sld [smem:$0x3FB5]  }
0x3d: {  	_ =	shalt  }
0x3e: {  	_ =	shalt  }
0x3f: {  	_ =	shalt  }
0x40: {  	_ =	shalt  }
0x41: {  	_ =	shalt  }
0x42: {  	_ =	shalt  }
0x43: {  	_ =	shalt  }
0x44: {  	_ =	shalt  }
0x45: {  	_ =	shalt  }
0x46: {  	_ =	shalt  }
0x47: {  	_ =	shalt  }
0x48: {  	_ =	shalt  }
0x49: {  	_ =	shalt  }
0x4a: {  	_ =	shalt  }
0x4b: {  	_ =	shalt  }
0x4c: {  	_ =	shalt  }
0x4d: {  	_ =	shalt  }
0x4e: {  	_ =	shalt  }
0x4f: {  	_ =	shalt  }
0x50: {  	_ =	shalt  }
0x51: {  	_ =	shalt  }
0x52: {  	_ =	shalt  }
0x53: {  	_ =	shalt  }
0x54: {  	_ =	shalt  }
0x55: {  	_ =	shalt  }
0x56: {  	_ =	shalt  }
0x57: {  	_ =	shalt  }
0x58: {  	_ =	shalt  }
0x59: {  	_ =	shalt  }
0x5a: {  	_ =	shalt  }
0x5b: {  	_ =	shalt  }
0x5c: {  	_ =	shalt  }
0x5d: {  	_ =	shalt  }
0x5e: {  	_ =	shalt  }
0x5f: {  	_ =	shalt  }
0x60: {  	_ =	shalt  }
0x61: {  	_ =	shalt  }
0x62: {  	_ =	shalt  }
0x63: {  	_ =	shalt  }
0x64: {  	_ =	shalt  }
0x65: {  	_ =	shalt  }
0x66: {  	_ =	shalt  }
0x67: {  	_ =	shalt  }
0x68: {  	_ =	shalt  }
0x69: {  	_ =	shalt  }
0x6a: {  	_ =	shalt  }
0x6b: {  	_ =	shalt  }
0x6c: {  	_ =	shalt  }
0x6d: {  	_ =	shalt  }
0x6e: {  	_ =	shalt  }
0x6f: {  	_ =	shalt  }
0x70: {  	_ =	shalt  }
0x71: {  	_ =	shalt  }
0x72: {  	_ =	shalt  }
0x73: {  	_ =	shalt  }
0x74: {  	_ =	shalt  }
0x75: {  	_ =	shalt  }
0x76: {  	_ =	shalt  }
0x77: {  	_ =	shalt  }
0x78: {  	_ =	shalt  }
0x79: {  	_ =	shalt  }
0x7a: {  	_ =	shalt  }
0x7b: {  	_ =	shalt  }
0x7c: {  	_ =	shalt  }
0x7d: {  	_ =	shalt  }
0x7e: {  	_ =	shalt  }
0x7f: {  	_ =	shalt  }
0x80: {  	_ =	shalt  }
0x81: {  	_ =	shalt  }
0x82: {  	_ =	shalt  }
0x83: {  	_ =	shalt  }
0x84: {  	_ =	shalt  }
0x85: {  	_ =	shalt  }
0x86: {  	_ =	shalt  }
0x87: {  	_ =	shalt  }
.Lfunc_end0:
.L_simem_size_0:
called_computation_lowered:
.L_overlay_start_0:
0x88: {  	s2 =	sld [smem:$0x3FD9]  }
0x89: {  	s3 =	sld [smem:$0x3FFE];
	_ =	sdelay $0x1  }
0x8a: {  	s1 =	srdreg.scid  }
0x8b: {  	s0 =	sand.u32 $0x1, s1  }
0x8c: {  	s17 =	sshll.u32 s0, $0xA;
	s2 =	sadd.s32 s3, s2  }
0x8d: {  	s2 =	sadd.s32 s2, s17  }
0x8e: {  	[smem:$0x3FC1] =	sst s2  }
0x8f: {  	_ = 	snop  }
0x90: {  	(tm) =	ssettm $0x1  }
0x91: {  	s18 =	sld [smem:$0x3FFB];
	_ =	sdelay $0x3  }
0x92: {  	_ =	strace s18  }
0x93: {  	s2 =	sld [smem:$0x3FFC];
	_ =	sdelay $0x3  }
0x94: {  	_ =	strace s2  }
0x95: {  	s2 =	sld [smem:$0x3FFD];
	_ =	sdelay $0x3  }
0x96: {  	_ =	strace s2  }
0x97: {  	_ =	strace $0x8FFFFFFF  }
0x98: {  	s19 =	sld [smem:$0x3FDB];
	_ =	sdelay $0x1  }
0x99: {  	s20 =	simm.s32 $_scs_section_size  }
0x9a: {  	s4 =	simm.s32 $_size__tile_overlayer_lowered;
	s5 =	simm.s32 $_tile_overlayer_lowered  }
0x9b: {  	s6 =	simm.s32 $0x1BFF;
	s21 =	sshll.u32 s5, $0x1;
	s3 =	sadd.s32 s20, s19  }
0x9c: {  	s22 =	simm.s32 $0x0;
	s4 =	sshll.u32 s4, $0x1;
	s5 =	sadd.s32 s21, s3  }
0x9d: {  	[timem:s22], [sflag:s6] =	dma.local [hbm:s5], s4  }
0x9e: {  	_ =	swait.ge [sflag:s6], s4  }
0x9f: {  	s4 =	ssub.s32 $0x0, s4;
	[sflag:s6] =	ssyncset.done $0x0  }
0xa0: {  	[sflag:s6] =	ssyncadd.s32 s4;
	_ =	sdelay $0x1  }
0xa1: {  	s23 =	simm.s32 $0x1B8B  }
0xa2: {  	_ =	swait.ge [sflag:s23], $0x1  }
0xa3: {  	[sflag:s23] =	ssyncset.done $0x0  }
0xa4: {  	[sflag:s23] =	ssyncadd.s32 $0xFFFFFFFF  }
0xa5: {  	s4 =	sld [smem:$0x0]  }
0xa6: {  	s5 =	sand.u32 $0xFFFFFFFE, s1  }
0xa7: {  	p0 =	sne.s32 s1, s5  }
0xa8: {  	s5 =	sshll.u32 @p0 s5, $0xE  }
0xa9: {  	s5 =	sadd.s32 @p0 $0x11B8D, s5;
	s6 =	sshll.u32 @p0 s4, $0x11  }
0xaa: {  	s5 =	sor.u32 @p0 s6, s5  }
0xab: {  	[sflag:s5] =	ssyncadd.remote.s32 @p0 $0x1;
	_ =	sdelay $0x1  }
0xac: {  	s5 =	simm.s32 @p0 $0x1B8D  }
0xad: {  	_ =	swait.eq @p0 [sflag:s5], $0x1  }
0xae: {  	[sflag:s5] =	ssyncadd.s32 @p0 $0xFFFFFFFF  }
0xaf: {  	s6 =	sshll.u32 @!p0 s1, $0xE  }
0xb0: {  	s6 =	sor.u32 @!p0 $0x4000, s6;
	s5 =	simm.s32 @!p0 $0x1B8D  }
0xb1: {  	s4 =	sshll.u32 @!p0 s4, $0x11;
	s6 =	sadd.s32 @!p0 $0x11B8D, s6;
	_ =	swait.eq @!p0 [sflag:s5], $0x1  }
0xb2: {  	s4 =	sor.u32 @!p0 s4, s6;
	[sflag:s5] =	ssyncadd.s32 @!p0 $0xFFFFFFFF  }
0xb3: {  	s25 =	simm.s32 $0x1B8E;
	s24 =	sld [smem:$0x3FFE];
	[sflag:s4] =	ssyncadd.remote.s32 @!p0 $0x1  }
0xb4: {  	s26 =	simm.s32 $execute0_lowered;
	[smem:$0x3FD2] =	sst s25  }
0xb5: {  	s5 =	sshll.u32 s26, $0x1;
	_ =	strace $0x8000004C;
	[dreg:$0x1] =	wrdreg $0xFFFFFFFF  }
0xb6: {  	s28 =	simm.s32 $_size_execute0_lowered;
	s3 =	sadd.s32 s3, s5;
	[dreg:$0x0] =	wrdreg $0x0  }
0xb7: {  	s5 =	sshll.u32 s28, $0x1;
	[dreg:$0x2] =	wrdreg s3  }
0xb8: {  	[dreg:$0x3] =	wrdreg s5  }
0xb9: {  	[dreg:$0x4] =	wrdreg $0xC0  }
0xba: {  	_ =	task [dreg:s22], $0x5FFFF  }
0xbb: {  	[dreg:$0x1] =	wrdreg $0xFFFFFFFF  }
0xbc: {  	[dreg:$0x0] =	wrdreg $0x60  }
0xbd: {  	[dreg:$0x2] =	wrdreg s24  }
0xbe: {  	[dreg:$0x3] =	wrdreg $0x9  }
0xbf: {  	_ =	task.clear_ibuf [dreg:s22], $0x4FFFF;
	_ =	strace $0x9000004C  }
0xc0: {  	s29 =	simm.s32 $0x9;
	_ =	strace $0x8000004E  }
0xc1: {  	_ =	swait.ge [sflag:s29], $0x1  }
0xc2: {  	[sflag:s29] =	ssyncadd.s32 $0xFFFFFFFF  }
0xc3: {  	_ =	strace $0x9000004E  }
0xc4: {  	_ =	sfence  }
0xc5: {  	s30 =	sld [smem:$0x0];
	_ =	sdelay $0x2  }
0xc6: {  	s31 =	sshll.u32 s1, $0xD;
	s1 =	sshrl.u32 s1, $0x2  }
0xc7: {  	s4 =	sand.u32 $0x4000, s31;
	s1 =	sadd.s32 s1, s30  }
0xc8: {  	s0 =	sor.u32 s4, s0;
	s1 =	sshll.u32 s1, $0x11  }
0xc9: {  	s0 =	sor.u32 s1, s0  }
0xca: {  	s0 =	sadd.s32 $0x8F2B, s0  }
0xcb: {  	[sflag:s0] =	ssyncadd.remote.s32 $0x1  }
0xcc: {  	_ =	sfence.sel $0xFFFF  }
0xcd: {  	[dreg:$0x0] =	wrdreg $0xFFFFFFFF;
	(pc) =	sbr.abs _section_cstart, $3  }
0xce: {  	[dreg:$0x1] =	wrdreg $0xFFFFFFFF  }
0xcf: {  	_ =	task.clear_ibuf [dreg:s22], $0x2FFFF;
	_ =	strace $0x9FFFFFFF  }
0xd0: {  	(tm) =	ssettm $0x7FFFFFFF  }
0xd1: {  	_ =	shalt  }
tec
execute0_lowered:
.L_overlay_start_1:
0x0: {  	(tag) =	ssettag $0x1  }
0x1: {  	s8 =	rddreg [dreg:$0x0];
	s1 =	stileid.u32  }
0x2: {  	s2 =	srdreg.scid;
	s0 =	rddreg [dreg:$0x1]  }
0x3: {  	_ =	strace $0x8000004D;
	s5 =	simm.s32 $0x1;
	s9 =	simm.s32 $0x1  }
0x4: {  	s10 =	simm.s32 $0x3;
	s2 =	sand.u32 $0x1, s2;
	s3 =	sshll.u32 s1, $0x1  }
0x5: {  	s13 =	simm.s32 $0x0;
	s12 =	simm.s32 $0x0;
	s6 =	sor.u32 s3, s2  }
0x6: {  	[sflag:s5] =	ssyncpa.u1 $0x0;
	s2 =	sadd.s32 $0x69600, s8;
	s4 =	smul.u32 $0xA00, s6  }
0x7: {  	s3 =	sadd.s32 $0x6C800, s8;
	p0 =	slt.u32 s6, $0x9;
	s6 =	simm.s32 $0x14000  }
.Ltmp0:
0x8: {  	s6 =	simm.s32 @!p0 $0x0;
	s7 =	ssub.s32 $0x19000, s4;
	(pc) =	sbr.rel .LBB2_1-.Ltmp0, $4  }
0x9: {  	s9 =	simm.s32 @!p0 $0x0;
	p0 =	sne.s32 s7, s6;
	s7 =	simm.s32 $0x1  }
0xa: {  	s8 =	sadd.s32 $0x35400, s8;
	s6 =	simm.s32 $0x2;
	s7 =	simm.s32 @!p0 $0x0  }
0xb: {  	s11 =	smov.u32 s4;
	[sflag:s6] =	ssyncpa.u1 $0x0;
	s7 =	sadd.s32 s9, s7  }
0xc: {  	vm0 =	vmmov $0xffff;
	[sflag:s10] =	ssyncpa.u1 $0x0;
	s10 =	simm.s32 $0x0;
	s9 =	sadd.s32 $0x1, s7  }
.LBB2_4:
0xd: {  	v2 =	vnsel vm1, $0x0, v2  }
0xe: {  	vm1 =	vgt.s32 v0, $0x0;
	v2 =	vmin.u32 v2, $0x18747  }
0xf: {  	v0 =	vnsel vm1, $0x0, v0  }
0x10: {  	v0 =	vmin.u32 v0, $0x18747  }
0x11: {  	[tilespmem:s18], [sflag:$0x1] =	stream.indirect_vreg.gather [hbm4b:s2+s10], $0x1, v1, vm0, $0x4038;
	[tilespmem:$0x2800] =	vst v63  }
0x12: {  	(ifvalue) =	ssetifvalue $0x7FFFFFFF  }
0x13: {  	[tilespmem:s15], [sflag:$0x1] =	stream.indirect_vreg.gather [hbm4b:s2+s10], $0x1, v2, vm0, $0x4038;
	[tilespmem:$0x2800] =	vst v63  }
0x14: {  	s29 =	sadd.s32 $0x10, s15;
	(ifvalue) =	ssetifvalue $0x7FFFFFFF  }
0x15: {  	[tilespmem:s29], [sflag:$0x1] =	stream.indirect_vreg.gather [hbm4b:s2+s10], $0x1, v0, vm0, $0x4038;
	[tilespmem:$0x2800] =	vst v63  }
0x16: {  	_ =	swait.ge [sflag:s5], $0xA00  }
0x17: {  	s30 =	sshrl.u32 s13, $0x3;
	[sflag:s5] =	ssyncset.done $0x0  }
0x18: {  	s31 =	sand.u32 $0x7, s13;
	s15 =	sadd.s32 s8, s30;
	[sflag:s5] =	ssyncadd.s32 $0xFFFFF600  }
0x19: {  	[hbm4b:s15+s31] =	stream.linear.scatter [tilespmem:s14], [sflag:$0x3], $0xA00, $0x38;
	[tilespmem:$0x2800] =	vst v63  }
.LBB2_5:
0x1a: {  	s15 =	sadd.s32 $0x14000, s11  }
0x1b: {  	p1 =	sgt.s32 s15, $0x18FFF  }
0x1c: {  	s15 =	smov.u32 @p1 s4;
	p1 =	sne.s32 s12, s9  }
.Ltmp1:
0x1d: {  	p0 =	slt.u32 s12, $0x2;
	(pc) =	sbr.rel @!p1 .LBB2_6-.Ltmp1, $4  }
0x1e: {  	s14 =	simm.s32 @!p0 $0x3  }
0x1f: {  	_ =	swait.ge @!p0 [sflag:s14], $0xA00  }
0x20: {  	s16 =	sadd.s32 $0x1, s12;
	s13 =	smov.u32 s11;
	[sflag:s14] =	ssyncset.done @!p0 $0x0  }
0x21: {  	s12 =	smov.u32 s16;
	s11 =	smov.u32 s15;
	[sflag:s14] =	ssyncadd.s32 @!p0 $0xFFFFF600  }
.LBB2_1:
0x22: {  	p0 =	sge.u32 s12, s7  }
0x23: {  	s14 =	sxor.u32 @!p0 $0x1, s12  }
0x24: {  	s14 =	smul.u32 @!p0 $0x2800, s14  }
0x25: {  	s31 =	sadd.s32 $0xFFFFFFFF, s12;
	s15 =	sshrl.u32 @!p0 s11, $0x3  }
0x26: {  	s16 =	sand.u32 @!p0 $0x7, s11;
	s15 =	sadd.s32 @!p0 s3, s15;
	s14 =	sshra.s32 @!p0 s14, $0x2  }
0x27: {  	[tilespmem:s14], [sflag:$0x2] =	stream.linear.gather @!p0 [hbm4b:s15+s16], $0xA00, $0x38;
	[tilespmem:$0x2800] =	vst v63  }
0x28: {  	p0 =	sge.u32 s31, s7  }
.Ltmp2:
0x29: {  	_ = 	snop;
	(pc) =	sbr.rel @p0 .LBB2_5-.Ltmp2, $1  }
0x2a: {  	_ =	sdelay $0x3  }
0x2b: {  	s14 =	sand.u32 $0x1, s12  }
0x2c: {  	_ =	swait.ge [sflag:s6], $0xA00;
	p0 =	seq.s32 s14, $0x1;
	s14 =	simm.s32 $0xA00  }
0x2d: {  	[sflag:s6] =	ssyncset.done $0x0;
	s14 =	simm.s32 @!p0 $0x0  }
0x2e: {  	[sflag:s6] =	ssyncadd.s32 $0xFFFFF600;
	(ifvalue) =	ssetifvalue $0x7FFFFFFF;
	v0 =	vld.msk [tilespmem:s14+$0x0 ss:$0x1], $0xffff;
	_ =	sdelay $0x4  }
0x2f: {  	s15 =	sadd.s32 $0x10, s14;
	vm1 =	vgt.s32 v0, $0x0  }
0x30: {  	v2 =	vld.msk [tilespmem:s15+$0x0 ss:$0x1], $0xffff;
	v1 =	vnsel vm1, $0x0, v0  }
0x31: {  	v1 =	vmin.u32 v1, $0x18747;
	_ =	sdelay $0x2  }
0x32: {  	s17 =	simm.s32 $0x20;
	s14 =	sor.u32 $0x1400, s14;
	s16 =	sadd.s32 $0x10, s15  }
0x33: {  	s15 =	sadd.s32 $0x10, s14;
	s18 =	smov.u32 s14;
	v0 =	vld.msk [tilespmem:s16+$0x0 ss:$0x1], $0xffff;
	vm1 =	vgt.s32 v2, $0x0;
	(ifvalue) =	ssetifvalue $0x7FFFFFFF  }
.LBB2_3:
0x34: {  	[tilespmem:s18], [sflag:$0x1] =	stream.indirect_vreg.gather [hbm4b:s2+s10], $0x1, v1, vm0, $0x4038;
	[tilespmem:$0x2800] =	vst v63  }
0x35: {  	s17 =	sadd.s32 $0x10, s17  }
0x36: {  	v2 =	vnsel vm1, $0x0, v2;
	p0 =	slt.u32 s17, $0x9F0  }
.Ltmp3:
0x37: {  	s18 =	smov.u32 s15;
	v1 =	vmin.u32 v2, $0x18747;
	(pc) =	sbr.rel @p0 .LBB2_3-.Ltmp3, $3  }
0x38: {  	_ =	sdelay $0x1  }
0x39: {  	s16 =	sadd.s32 $0x10, s16  }
0x3a: {  	vm1 =	vgt.s32 v0, $0x0;
	s15 =	sadd.s32 $0x10, s15;
	v2 =	vmov v0;
	(ifvalue) =	ssetifvalue $0x7FFFFFFF;
	v0 =	vld.msk [tilespmem:s16+$0x0 ss:$0x1], $0xffff  }
.Ltmp4:
0x3b: {  	_ = 	snop;
	(pc) =	sbr.rel .LBB2_4-.Ltmp4, $1  }
0x3c: {  	_ =	sdelay $0x3  }
.LBB2_6:
0x3d: {  	_ =	sfence.sel $0x180000  }
0x3e: {  	s2 =	simm.s32 $0x2;
	[bflag:$0x0] =	sbarrier.arrive $0xFFFF  }
0x3f: {  	s30 =	simm.s32 $0x3;
	[sflag:s2] =	ssyncpa.u1 $0x1  }
0x40: {  	s31 =	simm.s32 $0x1;
	[sflag:s30] =	ssyncpa.u1 $0x1  }
0x41: {  	[sflag:s31] =	ssyncpa.u1 $0x1  }
0x42: {  	p0 =	sne.s32 s1, $0x0;
	_ =	strace $0x9000004D  }
0x43: {  	s0 =	sadd.s32 @!p0 $0x100000, s0;
	[bflag:$0x2] =	sbarrier.arrive $0xFFFF  }
0x44: {  	[sflag:s0] =	ssyncadd.tile.s32 @!p0 $0x1;
	_ =	shalt  }
.Lfunc_end2:
_tile_overlayer_lowered:
.L_overlay_start_2:
0x45: {  	(tag) =	ssettag $0x2  }
0x46: {  	s0 =	rddreg [dreg:$0x0];
	s2 =	stileid.u32  }
0x47: {  	s1 =	rddreg [dreg:$0x1];
	p0 =	sne.s32 s2, $0x0  }
0x48: {  	s3 =	rddreg [dreg:$0x2];
	[bflag:$0x3] =	sbarrier.arrive $0xFFFF;
	s2 =	simm.s32 @!p0 $0x1C01  }
0x49: {  	[timem:s3], [sflag:s2] =	dma.local @!p0 [hbm:s0], s1  }
0x4a: {  	s0 =	simm.s32 @!p0 $0x1  }
0x4b: {  	_ =	swait.ge @!p0 [sflag:s0], s1  }
0x4c: {  	s1 =	ssub.s32 @!p0 $0x0, s1;
	[sflag:s0] =	ssyncset.done @!p0 $0x0  }
0x4d: {  	[sflag:s0] =	ssyncadd.s32 @!p0 s1  }
0x4e: {  	[bflag:$0x3] =	sbarrier.arrive $0xFFFF  }
0x4f: {  	_ =	shalt  }

// kernel: kernel.6.cloned.1.call-start
scs
__scs_entry_jumppad:
0x0: {  	(pc) =	sbr.rel $0x88, $3  }
0x1: {  	(tag) =	ssettag $0x0;
	lr =	simm.s32 $0x1  }
0x2: {  	[smem:$0x3F9A] =	sst lr;
	_ =	strace $0xD0000000  }
0x3: {  	_ = 	snop  }
0x4: {  	_ = 	snop  }
0x5: {  	_ = 	snop  }
0x6: {  	_ = 	snop  }
0x7: {  	_ = 	snop  }
__scs_overlays_trampoline_lowered:
0x8: {  	[smem:$0x3FA9] =	sst s0  }
0x9: {  	[smem:$0x3FAA] =	sst s1  }
0xa: {  	[smem:$0x3FAB] =	sst s2  }
0xb: {  	[smem:$0x3FAC] =	sst s3  }
0xc: {  	[smem:$0x3FAD] =	sst s4  }
0xd: {  	[smem:$0x3FAE] =	sst s5  }
0xe: {  	[smem:$0x3FAF] =	sst s6  }
0xf: {  	[smem:$0x3FB0] =	sst s7  }
0x10: {  	[smem:$0x3FB1] =	sst s8  }
0x11: {  	[smem:$0x3FB2] =	sst s9;
	s0 =	simm.s32 @!p0 $0x0  }
0x12: {  	s1 =	sld [smem:$0x3F98];
	s0 =	simm.s32 @p0 $0x1  }
0x13: {  	[smem:$0x3FB3] =	sst s0;
	s0 =	simm.s32 @!p1 $0x0  }
0x14: {  	s2 =	sld [smem:$0x3F97];
	s0 =	simm.s32 @p1 $0x1  }
0x15: {  	[smem:$0x3FB4] =	sst s0;
	s0 =	simm.s32 @!p2 $0x0  }
0x16: {  	s3 =	sld [smem:$0x3FDB];
	s0 =	simm.s32 @p2 $0x1  }
0x17: {  	s4 =	simm.s32 $0x1BF5;
	[smem:$0x3FB6] =	sst s0  }
0x18: {  	s0 =	sld [smem:$0x3F99];
	_ =	swait.ge [sflag:s4], $0x0  }
0x19: {  	s7 =	sld [smem:$0x3F9A]  }
0x1a: {  	s8 =	sadd.s32 $0xFFFFE003, lr  }
0x1b: {  	s9 =	sadd.s32 $0xFFFFFEF7, lr;
	s5 =	simm.s32 $0xFFFFFFFF;
	p2 =	slt.u32 s8, $0xFFFFF086  }
0x1c: {  	p1 =	slt.u32 s9, $0xF7A;
	s5 =	simm.s32 @!p2 $0x0  }
0x1d: {  	s5 =	simm.s32 @p1 $0x1;
	p0 =	seq.s32 s7, s2  }
0x1e: {  	s7 =	smul.u32 @!p0 $0xF7A, s2;
	p2 =	seq.s32 @!p0 s5, $0x0  }
0x1f: {  	s9 =	smul.u32 $0xF7A, s1;
	s8 =	simm.s32 @!p0 $0x1BF5;
	p2 =	por !p2, p0  }
0x20: {  	[sflag:s8] =	ssyncset.s32 @!p0 $0xFFFFF086;
	s6 =	sadd.s32 @!p0 s3, s7;
	s7 =	simm.s32 @!p0 $0x108  }
0x21: {  	s3 =	sadd.s32 s3, s9;
	s6 =	sadd.s32 @!p0 $0x88, s6;
	s7 =	simm.s32 @p2 $0x1082  }
0x22: {  	[simem:s7], [sflag:s8] =	dma.local @!p0 [hbm:s6], $0xF7A  }
0x23: {  	s9 =	sor.u32 $0xD0000000, s2;
	s6 =	simm.s32 $0x108;
	_ =	swait.ge @!p0 [sflag:s8], $0x0  }
0x24: {  	s3 =	sadd.s32 $0x88, s3;
	s6 =	simm.s32 @!p1 $0x1082;
	[sflag:s4] =	ssyncset.s32 $0xFFFFF086  }
0x25: {  	[simem:s6], [sflag:s4] =	dma.local [hbm:s3], $0xF7A  }
0x26: {  	[smem:$0x3F9A] =	sst s1;
	(tag) =	ssettag s2;
	_ =	strace s9  }
0x27: {  	s1 =	sld [smem:$0x3FAA]  }
0x28: {  	s2 =	sld [smem:$0x3FAB]  }
0x29: {  	s4 =	sld [smem:$0x3FAD]  }
0x2a: {  	p0 =	seq.s32 s5, $0x0;
	s5 =	sld [smem:$0x3FAE]  }
0x2b: {  	s6 =	sld [smem:$0x3FAF]  }
0x2c: {  	s7 =	sld [smem:$0x3FB0]  }
0x2d: {  	s3 =	simm.s32 $0x108;
	s8 =	sld [smem:$0x3FB1]  }
0x2e: {  	s3 =	simm.s32 @!p0 $0x1082;
	s9 =	sld [smem:$0x3FB2]  }
0x2f: {  	lr =	sadd.s32 s0, s3;
	s0 =	sld [smem:$0x3FA9]  }
0x30: {  	s3 =	sld [smem:$0x3FAC]  }
0x31: {  	[smem:$0x3FB5] =	sst s10  }
0x32: {  	s10 =	sld [smem:$0x3FB3];
	_ =	sdelay $0x3  }
0x33: {  	p0 =	seq.s32 s10, $0x1;
	s10 =	sld [smem:$0x3FB5];
	_ =	sdelay $0x3  }
0x34: {  	[smem:$0x3FB5] =	sst s10  }
0x35: {  	s10 =	sld [smem:$0x3FB4];
	_ =	sdelay $0x3  }
0x36: {  	p1 =	seq.s32 s10, $0x1;
	s10 =	sld [smem:$0x3FB5];
	_ =	sdelay $0x3  }
0x37: {  	[smem:$0x3FB5] =	sst s10  }
0x38: {  	s10 =	sld [smem:$0x3FB6]  }
0x39: {  	_ = 	snop;
	(pc) =	sbr.ind lr, $3  }
0x3a: {  	_ = 	snop  }
0x3b: {  	_ = 	snop  }
0x3c: {  	p2 =	seq.s32 s10, $0x1;
	s10 =	sld [smem:$0x3FB5]  }
0x3d: {  	_ =	shalt  }
0x3e: {  	_ =	shalt  }
0x3f: {  	_ =	shalt  }
0x40: {  	_ =	shalt  }
0x41: {  	_ =	shalt  }
0x42: {  	_ =	shalt  }
0x43: {  	_ =	shalt  }
0x44: {  	_ =	shalt  }
0x45: {  	_ =	shalt  }
0x46: {  	_ =	shalt  }
0x47: {  	_ =	shalt  }
0x48: {  	_ =	shalt  }
0x49: {  	_ =	shalt  }
0x4a: {  	_ =	shalt  }
0x4b: {  	_ =	shalt  }
0x4c: {  	_ =	shalt  }
0x4d: {  	_ =	shalt  }
0x4e: {  	_ =	shalt  }
0x4f: {  	_ =	shalt  }
0x50: {  	_ =	shalt  }
0x51: {  	_ =	shalt  }
0x52: {  	_ =	shalt  }
0x53: {  	_ =	shalt  }
0x54: {  	_ =	shalt  }
0x55: {  	_ =	shalt  }
0x56: {  	_ =	shalt  }
0x57: {  	_ =	shalt  }
0x58: {  	_ =	shalt  }
0x59: {  	_ =	shalt  }
0x5a: {  	_ =	shalt  }
0x5b: {  	_ =	shalt  }
0x5c: {  	_ =	shalt  }
0x5d: {  	_ =	shalt  }
0x5e: {  	_ =	shalt  }
0x5f: {  	_ =	shalt  }
0x60: {  	_ =	shalt  }
0x61: {  	_ =	shalt  }
0x62: {  	_ =	shalt  }
0x63: {  	_ =	shalt  }
0x64: {  	_ =	shalt  }
0x65: {  	_ =	shalt  }
0x66: {  	_ =	shalt  }
0x67: {  	_ =	shalt  }
0x68: {  	_ =	shalt  }
0x69: {  	_ =	shalt  }
0x6a: {  	_ =	shalt  }
0x6b: {  	_ =	shalt  }
0x6c: {  	_ =	shalt  }
0x6d: {  	_ =	shalt  }
0x6e: {  	_ =	shalt  }
0x6f: {  	_ =	shalt  }
0x70: {  	_ =	shalt  }
0x71: {  	_ =	shalt  }
0x72: {  	_ =	shalt  }
0x73: {  	_ =	shalt  }
0x74: {  	_ =	shalt  }
0x75: {  	_ =	shalt  }
0x76: {  	_ =	shalt  }
0x77: {  	_ =	shalt  }
0x78: {  	_ =	shalt  }
0x79: {  	_ =	shalt  }
0x7a: {  	_ =	shalt  }
0x7b: {  	_ =	shalt  }
0x7c: {  	_ =	shalt  }
0x7d: {  	_ =	shalt  }
0x7e: {  	_ =	shalt  }
0x7f: {  	_ =	shalt  }
0x80: {  	_ =	shalt  }
0x81: {  	_ =	shalt  }
0x82: {  	_ =	shalt  }
0x83: {  	_ =	shalt  }
0x84: {  	_ =	shalt  }
0x85: {  	_ =	shalt  }
0x86: {  	_ =	shalt  }
0x87: {  	_ =	shalt  }
.Lfunc_end0:
.L_simem_size_0:
called_computation.2_lowered:
.L_overlay_start_0:
0x88: {  	s2 =	sld [smem:$0x3FD9]  }
0x89: {  	s3 =	sld [smem:$0x3FFE];
	_ =	sdelay $0x1  }
0x8a: {  	s1 =	srdreg.scid  }
0x8b: {  	s0 =	sand.u32 $0x1, s1  }
0x8c: {  	s17 =	sshll.u32 s0, $0xA;
	s2 =	sadd.s32 s3, s2  }
0x8d: {  	s2 =	sadd.s32 s2, s17  }
0x8e: {  	[smem:$0x3FC1] =	sst s2  }
0x8f: {  	_ = 	snop  }
0x90: {  	s2 =	sld [smem:$0x3FD0];
	(tm) =	ssettm $0x1  }
0x91: {  	s18 =	sld [smem:$0x3FFB];
	_ =	sdelay $0x3  }
0x92: {  	_ =	strace s18  }
0x93: {  	s3 =	sld [smem:$0x3FFC];
	_ =	sdelay $0x3  }
0x94: {  	_ =	strace s3  }
0x95: {  	s3 =	sld [smem:$0x3FFD];
	_ =	sdelay $0x3  }
0x96: {  	_ =	strace s3  }
0x97: {  	_ =	strace $0x8FFFFFFF  }
0x98: {  	s19 =	sld [smem:$0x3FDB];
	_ =	sdelay $0x1  }
0x99: {  	s4 =	simm.s32 $_scs_section_size  }
0x9a: {  	s5 =	simm.s32 $_size__tile_overlayer_lowered;
	s6 =	simm.s32 $_tile_overlayer_lowered  }
0x9b: {  	s22 =	simm.s32 $0x1BFF;
	s21 =	sshll.u32 s6, $0x1;
	s3 =	sadd.s32 s4, s19  }
0x9c: {  	s7 =	simm.s32 $0x0;
	s20 =	sshll.u32 s5, $0x1;
	s5 =	sadd.s32 s21, s3  }
0x9d: {  	[timem:s7], [sflag:s22] =	dma.local [hbm:s5], s20  }
0x9e: {  	_ =	swait.ge [sflag:s22], s20  }
0x9f: {  	s4 =	ssub.s32 $0x0, s20;
	[sflag:s22] =	ssyncset.done $0x0  }
0xa0: {  	[sflag:s22] =	ssyncadd.s32 s4;
	_ =	sdelay $0x1  }
0xa1: {  	s23 =	simm.s32 $0x1B8B  }
0xa2: {  	_ =	swait.ge [sflag:s23], $0x1  }
0xa3: {  	[sflag:s23] =	ssyncset.done $0x0  }
0xa4: {  	s25 =	simm.s32 $0x1B8E;
	s24 =	sld [smem:$0x3FFE];
	[sflag:s23] =	ssyncadd.s32 $0xFFFFFFFF  }
0xa5: {  	s26 =	simm.s32 $execute0_lowered;
	[smem:$0x3FD2] =	sst s25  }
0xa6: {  	s5 =	sshll.u32 s26, $0x1;
	_ =	strace $0x80000046;
	[dreg:$0x1] =	wrdreg $0xFFFFFFFF  }
0xa7: {  	s28 =	simm.s32 $_size_execute0_lowered;
	s3 =	sadd.s32 s3, s5;
	[dreg:$0x0] =	wrdreg $0x0  }
0xa8: {  	s5 =	sshll.u32 s28, $0x1;
	[dreg:$0x2] =	wrdreg s3  }
0xa9: {  	[dreg:$0x3] =	wrdreg s5  }
0xaa: {  	[dreg:$0x4] =	wrdreg $0xC0  }
0xab: {  	_ =	task [dreg:s7], $0x5FFFF  }
0xac: {  	[dreg:$0x1] =	wrdreg $0xFFFFFFFF  }
0xad: {  	[dreg:$0x0] =	wrdreg $0x60  }
0xae: {  	[dreg:$0x2] =	wrdreg s2  }
0xaf: {  	[dreg:$0x3] =	wrdreg s24  }
0xb0: {  	[dreg:$0x4] =	wrdreg $0x0  }
0xb1: {  	[dreg:$0x5] =	wrdreg $0x9  }
0xb2: {  	_ =	task.clear_ibuf [dreg:s7], $0x6FFFF;
	_ =	strace $0x90000046  }
0xb3: {  	s29 =	simm.s32 $0x9;
	_ =	strace $0x80000048  }
0xb4: {  	_ =	swait.ge [sflag:s29], $0x1  }
0xb5: {  	[sflag:s29] =	ssyncadd.s32 $0xFFFFFFFF  }
0xb6: {  	_ =	strace $0x90000048  }
0xb7: {  	_ =	sfence  }
0xb8: {  	s30 =	sld [smem:$0x0];
	_ =	sdelay $0x2  }
0xb9: {  	s31 =	sshll.u32 s1, $0xD;
	s1 =	sshrl.u32 s1, $0x2  }
0xba: {  	s3 =	sand.u32 $0x4000, s31;
	s1 =	sadd.s32 s1, s30  }
0xbb: {  	s0 =	sor.u32 s3, s0;
	s1 =	sshll.u32 s1, $0x11  }
0xbc: {  	s0 =	sor.u32 s1, s0  }
0xbd: {  	s0 =	sadd.s32 $0x8F2B, s0  }
0xbe: {  	[sflag:s0] =	ssyncadd.remote.s32 $0x1  }
0xbf: {  	_ =	sfence.sel $0xFFFF  }
0xc0: {  	[dreg:$0x0] =	wrdreg $0xFFFFFFFF;
	(pc) =	sbr.abs _section_cstart, $3  }
0xc1: {  	[dreg:$0x1] =	wrdreg $0xFFFFFFFF  }
0xc2: {  	_ =	task.clear_ibuf [dreg:s7], $0x2FFFF;
	_ =	strace $0x9FFFFFFF  }
0xc3: {  	(tm) =	ssettm $0x7FFFFFFF  }
tec
execute0_lowered:
.L_overlay_start_1:
0x0: {  	(tag) =	ssettag $0x1  }
0x1: {  	s0 =	rddreg [dreg:$0x0]  }
0x2: {  	s1 =	rddreg [dreg:$0x1]  }
0x3: {  	s2 =	rddreg [dreg:$0x2];
	s3 =	simm.s32 $0x0  }
0x4: {  	s14 =	stileid.u32;
	s6 =	srdreg.scid;
	s21 =	simm.s32 $0x19070  }
0x5: {  	s23 =	simm.s32 $0x19840;
	s24 =	simm.s32 $0x1A010;
	s25 =	simm.s32 $0x1B030  }
0x6: {  	s26 =	simm.s32 $0x1B980;
	s28 =	simm.s32 $0x1B1B0;
	s4 =	smul.u32 $0x61A80, s14  }
0x7: {  	s29 =	simm.s32 $0x3;
	s30 =	simm.s32 $0x4;
	s7 =	smul.u32 $0x61C00, s14  }
0x8: {  	s31 =	simm.s32 $0x1B0B0;
	[smem:$0x7FF] =	sst s3;
	s11 =	smul.u32 $0x18700, s14  }
0x9: {  	s22 =	sadd.s32 $0x4600, s1;
	s6 =	sand.u32 $0x1, s6;
	s15 =	smul.u32 $0x6400, s14  }
0xa: {  	s12 =	sadd.s32 $0x16E900, s2;
	_ =	strace $0x80000047;
	[dreg:$0x4] =	wrdreg s21  }
0xb: {  	p1 =	seq.s32 s14, $0xF;
	s8 =	ssub.s32 $0x2, s6;
	[dreg:$0x5] =	wrdreg s23  }
0xc: {  	s9 =	smul.u32 $0x186A00, s6;
	p0 =	seq.s32 s6, $0x1;
	[dreg:$0x6] =	wrdreg s24  }
0xd: {  	s12 =	sshrl.u32 @p1 s12, $0x3;
	s21 =	simm.s32 $0x18820;
	[dreg:$0x7] =	wrdreg s25  }
0xe: {  	s23 =	simm.s32 $0x188A0;
	s24 =	simm.s32 $0x1;
	[dreg:$0x8] =	wrdreg s26  }
0xf: {  	s25 =	simm.s32 $0x2;
	s26 =	simm.s32 $0x1AFB0;
	s5 =	sadd.s32 s4, s1  }
0x10: {  	s4 =	sadd.s32 $0x1400, s1;
	s1 =	sadd.s32 $0x4800, s1;
	s10 =	sshrl.u32 s8, $0x1  }
0x11: {  	s7 =	sshrl.u32 s7, $0x2;
	s6 =	sadd.s32 s0, s15;
	s15 =	simm.s32 $0x1A7E0  }
0x12: {  	s8 =	ssub.s32 s8, s10;
	s7 =	sadd.s32 s7, s2;
	s13 =	sadd.s32 s11, s9  }
0x13: {  	s9 =	sshrl.u32 s9, $0x3;
	s17 =	sadd.s32 $0x30D5400, s5;
	s20 =	sadd.s32 $0x30D57E8, s5  }
0x14: {  	s5 =	simm.s32 $0x0;
	s16 =	sshrl.u32 s13, $0x3;
	[dreg:$0x9] =	wrdreg s17  }
0x15: {  	s18 =	sadd.s32 s1, s9;
	s19 =	smax.u32 s8, $0x1;
	[dreg:$0xd] =	wrdreg s20  }
0x16: {  	s17 =	simm.s32 $0x186A0;
	s20 =	simm.s32 $0x187A0;
	s0 =	sadd.s32 s1, s16  }
0x17: {  	s1 =	sadd.s32 s11, s2;
	s9 =	sadd.s32 $0x2DD20, s18;
	[dreg:$0xc] =	wrdreg s19  }
.Ltmp0:
0x18: {  	s16 =	simm.s32 $0x5;
	s18 =	simm.s32 $0x7D;
	(pc) =	sbr.rel .LBB2_1-.Ltmp0, $4  }
0x19: {  	s19 =	simm.s32 $0x18720;
	[dreg:$0xa] =	wrdreg s0;
	s0 =	sshll.u32 @!p1 s14, $0x6  }
0x1a: {  	s1 =	sshrl.u32 @!p1 s1, $0x3;
	[dreg:$0xb] =	wrdreg s9;
	s13 =	sor.u32 @!p1 $0x1C05, s0  }
0x1b: {  	s0 =	sshrl.u32 @!p1 s7, $0x3;
	[dreg:$0xf] =	wrdreg s1;
	s1 =	simm.s32 $0x1B130  }
0x1c: {  	s7 =	simm.s32 $0x1C920;
	[dreg:$0xe] =	wrdreg s0;
	s0 =	simm.s32 $0x1C150  }
.LBB2_7:
0x1d: {  	s8 =	sadd.s32 s8, s6;
	[sflag:s16] =	ssyncadd.s32 $0xFFFFF830  }
0x1e: {  	[tilespmem:s17], [sflag:$0x5] =	stream.linear.gather [hbm4b:s8+s3], $0x200, $0x38;
	[tilespmem:$0x1D0F0] =	vst v63  }
0x1f: {  	_ =	swait.ge [sflag:s16], $0x200  }
0x20: {  	[sflag:s16] =	ssyncset.done $0x0  }
0x21: {  	[sflag:s16] =	ssyncadd.s32 $0xFFFFFE00  }
0x22: {  	[spmem:s2] =	stream.indirect.scatter.add.f32 [tilespmem:s15], [sflag:$0x5], $0x10, s17, s18, $0xb8;
	[tilespmem:$0x1D0F0] =	vst v63  }
0x23: {  	_ =	swait.ge [sflag:s16], $0x7D0  }
0x24: {  	[sflag:s16] =	ssyncset.done $0x0  }
0x25: {  	[sflag:s16] =	ssyncadd.s32 $0xFFFFF830  }
0x26: {  	[spmem:s2] =	stream.indirect.scatter.add.f32 [tilespmem:s15], [sflag:$0x5], $0x10, s19, s18, $0xb8;
	[tilespmem:$0x1D0F0] =	vst v63  }
0x27: {  	_ =	swait.ge [sflag:s16], $0x7D0  }
0x28: {  	[sflag:s16] =	ssyncset.done $0x0  }
0x29: {  	[sflag:s16] =	ssyncadd.s32 $0xFFFFF830  }
0x2a: {  	[spmem:s2] =	stream.indirect.scatter.add.f32 [tilespmem:s15], [sflag:$0x5], $0x10, s20, s18, $0xb8;
	[tilespmem:$0x1D0F0] =	vst v63  }
0x2b: {  	_ =	swait.ge [sflag:s16], $0x7D0  }
0x2c: {  	[sflag:s16] =	ssyncset.done $0x0  }
0x2d: {  	[sflag:s16] =	ssyncadd.s32 $0xFFFFF830  }
0x2e: {  	[spmem:s2] =	stream.indirect.scatter.add.f32 [tilespmem:s15], [sflag:$0x5], $0x10, s21, s18, $0xb8;
	[tilespmem:$0x1D0F0] =	vst v63  }
0x2f: {  	_ =	swait.ge [sflag:s16], $0x7D0  }
0x30: {  	[sflag:s16] =	ssyncset.done $0x0  }
0x31: {  	[sflag:s16] =	ssyncadd.s32 $0xFFFFF830  }
.LBB2_8:
0x32: {  	[bflag:$0x0] =	sbarrier.arrive $0xFFFF;
	s8 =	simm.s32 @p1 $0x1FC5  }
0x33: {  	[hbm:s9], [sflag:s8] =	dma.local @p1 [spmem:s12], $0x3020  }
0x34: {  	s8 =	simm.s32 @p1 $0x5  }
0x35: {  	_ =	swait.ge @p1 [sflag:s8], $0x3020  }
0x36: {  	[sflag:s8] =	ssyncset.done @p1 $0x0;
	s10 =	rddreg [dreg:$0xf]  }
0x37: {  	[sflag:s8] =	ssyncadd.s32 @p1 $0xFFFFCFE0;
	s8 =	rddreg [dreg:$0xa]  }
0x38: {  	[hbm:s8], [sflag:s13] =	dma.local @!p1 [spmem:s10], $0x30E0  }
0x39: {  	s8 =	simm.s32 @!p1 $0x5  }
0x3a: {  	_ =	swait.ge @!p1 [sflag:s8], $0x30E0  }
0x3b: {  	s5 =	sadd.s32 $0x1, s5;
	s14 =	rddreg [dreg:$0xc]  }
0x3c: {  	p2 =	sne.s32 s5, s14  }
.Ltmp1:
0x3d: {  	_ = 	snop;
	(pc) =	sbr.rel @!p2 .LBB2_9-.Ltmp1, $3  }
0x3e: {  	_ =	sdelay $0x1  }
0x3f: {  	[sflag:s8] =	ssyncset.done @!p1 $0x0  }
0x40: {  	[sflag:s8] =	ssyncadd.s32 @!p1 $0xFFFFCF20  }
.LBB2_1:
0x41: {  	s8 =	simm.s32 @p1 $0x1FC5  }
0x42: {  	[spmem:s12], [sflag:s8] =	dma.local @p1 [hbm:s4], $0x3020  }
0x43: {  	s8 =	simm.s32 @p1 $0x5  }
0x44: {  	_ =	swait.ge @p1 [sflag:s8], $0x3020  }
0x45: {  	[sflag:s8] =	ssyncset.done @p1 $0x0  }
0x46: {  	[sflag:s8] =	ssyncadd.s32 @p1 $0xFFFFCFE0;
	s8 =	rddreg [dreg:$0xe]  }
0x47: {  	[spmem:s8], [sflag:s13] =	dma.local @!p1 [hbm:s4], $0x30E0  }
0x48: {  	s8 =	simm.s32 @!p1 $0x5  }
0x49: {  	_ =	swait.ge @!p1 [sflag:s8], $0x30E0  }
0x4a: {  	[sflag:s8] =	ssyncset.done @!p1 $0x0  }
0x4b: {  	[sflag:s8] =	ssyncadd.s32 @!p1 $0xFFFFCF20  }
0x4c: {  	[tilespmem:s15], [sflag:$0x5] =	stream.linear.gather [hbm4b:s22+s3], $0x7D0, $0x38;
	[tilespmem:$0x1D0F0] =	vst v63  }
.Ltmp2:
0x4d: {  	_ =	swait.ge [sflag:s16], $0x7D0;
	(pc) =	sbr.rel @!p0 .LBB2_2-.Ltmp2, $3  }
0x4e: {  	[sflag:s16] =	ssyncset.done $0x0  }
0x4f: {  	[sflag:s16] =	ssyncadd.s32 $0xFFFFF830  }
0x50: {  	[bflag:$0x0] =	sbarrier.arrive $0xFFFF;
	_ =	sdelay $0x1  }
0x51: {  	s8 =	sadd.s32 $0x0, s6  }
0x52: {  	[tilespmem:s17], [sflag:$0x5] =	stream.linear.gather [hbm4b:s8+s3], $0x200, $0x38;
	[tilespmem:$0x1D0F0] =	vst v63  }
0x53: {  	_ =	swait.ge [sflag:s16], $0x200  }
0x54: {  	[sflag:s16] =	ssyncset.done $0x0  }
0x55: {  	[sflag:s16] =	ssyncadd.s32 $0xFFFFFE00  }
0x56: {  	[spmem:s2] =	stream.indirect.scatter.add.f32 [tilespmem:s15], [sflag:$0x5], $0x10, s17, s18, $0xb8;
	[tilespmem:$0x1D0F0] =	vst v63  }
0x57: {  	_ =	swait.ge [sflag:s16], $0x7D0  }
0x58: {  	[sflag:s16] =	ssyncset.done $0x0  }
0x59: {  	[sflag:s16] =	ssyncadd.s32 $0xFFFFF830  }
0x5a: {  	[spmem:s2] =	stream.indirect.scatter.add.f32 [tilespmem:s15], [sflag:$0x5], $0x10, s19, s18, $0xb8;
	[tilespmem:$0x1D0F0] =	vst v63  }
0x5b: {  	_ =	swait.ge [sflag:s16], $0x7D0  }
0x5c: {  	[sflag:s16] =	ssyncset.done $0x0  }
0x5d: {  	[sflag:s16] =	ssyncadd.s32 $0xFFFFF830  }
0x5e: {  	[spmem:s2] =	stream.indirect.scatter.add.f32 [tilespmem:s15], [sflag:$0x5], $0x10, s20, s18, $0xb8;
	[tilespmem:$0x1D0F0] =	vst v63  }
0x5f: {  	_ =	swait.ge [sflag:s16], $0x7D0  }
0x60: {  	[sflag:s16] =	ssyncset.done $0x0  }
0x61: {  	[sflag:s16] =	ssyncadd.s32 $0xFFFFF830  }
0x62: {  	[spmem:s2] =	stream.indirect.scatter.add.f32 [tilespmem:s15], [sflag:$0x5], $0x10, s21, s18, $0xb8;
	[tilespmem:$0x1D0F0] =	vst v63  }
0x63: {  	_ =	swait.ge [sflag:s16], $0x7D0  }
0x64: {  	s10 =	simm.s32 $0x80;
	s8 =	simm.s32 $0x40;
	[sflag:s16] =	ssyncset.done $0x0  }
.LBB2_6:
0x65: {  	s11 =	sadd.s32 s8, s6  }
0x66: {  	[sflag:s16] =	ssyncadd.s32 $0xFFFFF830;
	s8 =	smov.u32 s10;
	s14 =	sadd.s32 $0x40, s10  }
0x67: {  	[tilespmem:s17], [sflag:$0x5] =	stream.linear.gather [hbm4b:s11+s3], $0x200, $0x38;
	[tilespmem:$0x1D0F0] =	vst v63  }
0x68: {  	p2 =	sne.s32 s10, $0x63C0;
	_ =	swait.ge [sflag:s16], $0x200  }
0x69: {  	[sflag:s16] =	ssyncset.done $0x0  }
0x6a: {  	[sflag:s16] =	ssyncadd.s32 $0xFFFFFE00  }
0x6b: {  	[spmem:s2] =	stream.indirect.scatter.add.f32 [tilespmem:s15], [sflag:$0x5], $0x10, s17, s18, $0xb8;
	[tilespmem:$0x1D0F0] =	vst v63  }
0x6c: {  	_ =	swait.ge [sflag:s16], $0x7D0  }
0x6d: {  	[sflag:s16] =	ssyncset.done $0x0  }
0x6e: {  	[sflag:s16] =	ssyncadd.s32 $0xFFFFF830  }
0x6f: {  	[spmem:s2] =	stream.indirect.scatter.add.f32 [tilespmem:s15], [sflag:$0x5], $0x10, s19, s18, $0xb8;
	[tilespmem:$0x1D0F0] =	vst v63  }
0x70: {  	_ =	swait.ge [sflag:s16], $0x7D0  }
0x71: {  	[sflag:s16] =	ssyncset.done $0x0  }
0x72: {  	[sflag:s16] =	ssyncadd.s32 $0xFFFFF830  }
0x73: {  	[spmem:s2] =	stream.indirect.scatter.add.f32 [tilespmem:s15], [sflag:$0x5], $0x10, s20, s18, $0xb8;
	[tilespmem:$0x1D0F0] =	vst v63  }
0x74: {  	_ =	swait.ge [sflag:s16], $0x7D0  }
.Ltmp3:
0x75: {  	[sflag:s16] =	ssyncset.done $0x0;
	(pc) =	sbr.rel @p2 .LBB2_6-.Ltmp3, $4  }
0x76: {  	[sflag:s16] =	ssyncadd.s32 $0xFFFFF830  }
0x77: {  	[spmem:s2] =	stream.indirect.scatter.add.f32 [tilespmem:s15], [sflag:$0x5], $0x10, s21, s18, $0xb8;
	[tilespmem:$0x1D0F0] =	vst v63  }
0x78: {  	_ =	swait.ge [sflag:s16], $0x7D0  }
0x79: {  	s10 =	smov.u32 s14;
	[sflag:s16] =	ssyncset.done $0x0  }
.Ltmp4:
0x7a: {  	_ = 	snop;
	(pc) =	sbr.rel .LBB2_7-.Ltmp4, $1  }
0x7b: {  	_ =	sdelay $0x3  }
.LBB2_2:
0x7c: {  	s8 =	simm.s32 $0x0  }
0x7d: {  	[tilespmem:s17], [sflag:$0x1] =	stream.linear.gather [hbm4b:s6+s8], $0x200, $0x38;
	[tilespmem:$0x1D0F0] =	vst v63  }
0x7e: {  	s10 =	rddreg [dreg:$0x9]  }
0x7f: {  	[tilespmem:s23], [sflag:$0x2] =	stream.linear.gather [hbm4b:s10+s8], $0x1F40, $0x38;
	[tilespmem:$0x1D0F0] =	vst v63  }
0x80: {  	_ =	swait.ge [sflag:s24], $0x200  }
0x81: {  	[sflag:s24] =	ssyncset.done $0x0  }
0x82: {  	[sflag:s24] =	ssyncadd.s32 $0xFFFFFE00  }
0x83: {  	_ =	swait.ge [sflag:s25], $0x1F40  }
0x84: {  	s10 =	sadd.s32 $0x0, s6;
	[sflag:s25] =	ssyncset.done $0x0  }
0x85: {  	s8 =	sadd.s32 $0x40, s10;
	[sflag:s25] =	ssyncadd.s32 $0xFFFFE0C0  }
0x86: {  	[tilespmem:s26], [sflag:$0x3] =	stream.linear.gather [hbm4b:s8+s3], $0x200, $0x38;
	[tilespmem:$0x1D0F0] =	vst v63  }
0x87: {  	s14 =	rddreg [dreg:$0xd]  }
0x88: {  	[tilespmem:s28], [sflag:$0x4] =	stream.linear.gather [hbm4b:s14+s3], $0x1F40, $0x38;
	[tilespmem:$0x1D0F0] =	vst v63  }
0x89: {  	_ = 	snop  }
0x8a: {  	[spmem:s2] =	stream.indirect.scatter.add.f32 [tilespmem:s23], [sflag:$0x5], $0x10, s17, s18, $0xb8;
	[tilespmem:$0x1D0F0] =	vst v63  }
0x8b: {  	_ =	swait.ge [sflag:s16], $0x7D0  }
0x8c: {  	[sflag:s16] =	ssyncset.done $0x0  }
0x8d: {  	s11 =	rddreg [dreg:$0x4];
	[sflag:s16] =	ssyncadd.s32 $0xFFFFF830  }
0x8e: {  	[spmem:s2] =	stream.indirect.scatter.add.f32 [tilespmem:s11], [sflag:$0x5], $0x10, s19, s18, $0xb8;
	[tilespmem:$0x1D0F0] =	vst v63  }
0x8f: {  	_ =	swait.ge [sflag:s16], $0x7D0  }
0x90: {  	[sflag:s16] =	ssyncset.done $0x0  }
0x91: {  	s9 =	smov.u32 s22;
	s22 =	rddreg [dreg:$0x5];
	[sflag:s16] =	ssyncadd.s32 $0xFFFFF830  }
0x92: {  	[spmem:s2] =	stream.indirect.scatter.add.f32 [tilespmem:s22], [sflag:$0x5], $0x10, s20, s18, $0xb8;
	[tilespmem:$0x1D0F0] =	vst v63  }
0x93: {  	_ =	swait.ge [sflag:s16], $0x7D0  }
0x94: {  	[sflag:s16] =	ssyncset.done $0x0  }
0x95: {  	s10 =	rddreg [dreg:$0x6];
	[sflag:s16] =	ssyncadd.s32 $0xFFFFF830  }
0x96: {  	[spmem:s2] =	stream.indirect.scatter.add.f32 [tilespmem:s10], [sflag:$0x5], $0x10, s21, s18, $0xb8;
	[tilespmem:$0x1D0F0] =	vst v63  }
0x97: {  	_ =	swait.ge [sflag:s16], $0x7D0  }
0x98: {  	[sflag:s16] =	ssyncset.done $0x0  }
0x99: {  	[sflag:s16] =	ssyncadd.s32 $0xFFFFF830  }
0x9a: {  	_ =	swait.ge [sflag:s29], $0x200  }
0x9b: {  	[sflag:s29] =	ssyncset.done $0x0  }
0x9c: {  	p2 =	por $0x0, $0x0;
	[sflag:s29] =	ssyncadd.s32 $0xFFFFFE00  }
0x9d: {  	s8 =	sadd.s32 @!p2 $0x0, s6;
	_ =	swait.ge [sflag:s30], $0x1F40  }
0x9e: {  	s8 =	sadd.s32 @!p2 $0x80, s8;
	[sflag:s30] =	ssyncset.done $0x0  }
0x9f: {  	s11 =	simm.s32 @!p2 $0x0;
	s10 =	simm.s32 @!p2 $0x186A0;
	[sflag:s30] =	ssyncadd.s32 $0xFFFFE0C0  }
0xa0: {  	[tilespmem:s10], [sflag:$0x1] =	stream.linear.gather @!p2 [hbm4b:s8+s11], $0x200, $0x38;
	[tilespmem:$0x1D0F0] =	vst v63  }
0xa1: {  	s8 =	sadd.s32 @!p2 $0x3E8, s14;
	s10 =	simm.s32 @!p2 $0x188A0  }
0xa2: {  	[tilespmem:s10], [sflag:$0x2] =	stream.linear.gather @!p2 [hbm4b:s8+s11], $0x1F40, $0x38;
	[tilespmem:$0x1D0F0] =	vst v63  }
0xa3: {  	_ = 	snop  }
0xa4: {  	[spmem:s2] =	stream.indirect.scatter.add.f32 [tilespmem:s28], [sflag:$0x5], $0x10, s26, s18, $0xb8;
	[tilespmem:$0x1D0F0] =	vst v63  }
0xa5: {  	_ =	swait.ge [sflag:s16], $0x7D0  }
0xa6: {  	s11 =	rddreg [dreg:$0x7];
	[sflag:s16] =	ssyncset.done $0x0  }
0xa7: {  	s22 =	rddreg [dreg:$0x8];
	[sflag:s16] =	ssyncadd.s32 $0xFFFFF830  }
0xa8: {  	[spmem:s2] =	stream.indirect.scatter.add.f32 [tilespmem:s22], [sflag:$0x5], $0x10, s11, s18, $0xb8;
	[tilespmem:$0x1D0F0] =	vst v63  }
0xa9: {  	_ =	swait.ge [sflag:s16], $0x7D0  }
0xaa: {  	[sflag:s16] =	ssyncset.done $0x0  }
0xab: {  	[sflag:s16] =	ssyncadd.s32 $0xFFFFF830  }
0xac: {  	[spmem:s2] =	stream.indirect.scatter.add.f32 [tilespmem:s0], [sflag:$0x5], $0x10, s31, s18, $0xb8;
	[tilespmem:$0x1D0F0] =	vst v63  }
0xad: {  	_ =	swait.ge [sflag:s16], $0x7D0  }
0xae: {  	[sflag:s16] =	ssyncset.done $0x0  }
0xaf: {  	[sflag:s16] =	ssyncadd.s32 $0xFFFFF830  }
0xb0: {  	[spmem:s2] =	stream.indirect.scatter.add.f32 [tilespmem:s7], [sflag:$0x5], $0x10, s1, s18, $0xb8;
	[tilespmem:$0x1D0F0] =	vst v63  }
0xb1: {  	s8 =	simm.s32 $0x80;
	s11 =	smov.u32 s14;
	_ =	swait.ge [sflag:s16], $0x7D0  }
.LBB2_3:
0xb2: {  	[sflag:s16] =	ssyncset.done $0x0  }
0xb3: {  	[sflag:s16] =	ssyncadd.s32 $0xFFFFF830  }
0xb4: {  	_ =	swait.ge [sflag:s24], $0x200  }
0xb5: {  	[sflag:s24] =	ssyncset.done $0x0  }
0xb6: {  	[sflag:s24] =	ssyncadd.s32 $0xFFFFFE00  }
0xb7: {  	s10 =	smov.u32 s8;
	_ =	swait.ge [sflag:s25], $0x1F40  }
0xb8: {  	s14 =	sadd.s32 s10, s6;
	[sflag:s25] =	ssyncset.done $0x0  }
0xb9: {  	s14 =	sadd.s32 $0x40, s14;
	[sflag:s25] =	ssyncadd.s32 $0xFFFFE0C0  }
0xba: {  	[tilespmem:s26], [sflag:$0x3] =	stream.linear.gather [hbm4b:s14+s3], $0x200, $0x38;
	[tilespmem:$0x1D0F0] =	vst v63  }
0xbb: {  	s11 =	sadd.s32 $0x7D0, s11  }
0xbc: {  	[tilespmem:s28], [sflag:$0x4] =	stream.linear.gather [hbm4b:s11+s3], $0x1F40, $0x38;
	[tilespmem:$0x1D0F0] =	vst v63  }
0xbd: {  	_ = 	snop  }
0xbe: {  	[spmem:s2] =	stream.indirect.scatter.add.f32 [tilespmem:s23], [sflag:$0x5], $0x10, s17, s18, $0xb8;
	[tilespmem:$0x1D0F0] =	vst v63  }
0xbf: {  	_ =	swait.ge [sflag:s16], $0x7D0  }
0xc0: {  	[sflag:s16] =	ssyncset.done $0x0  }
0xc1: {  	s22 =	rddreg [dreg:$0x4];
	[sflag:s16] =	ssyncadd.s32 $0xFFFFF830  }
0xc2: {  	[spmem:s2] =	stream.indirect.scatter.add.f32 [tilespmem:s22], [sflag:$0x5], $0x10, s19, s18, $0xb8;
	[tilespmem:$0x1D0F0] =	vst v63  }
0xc3: {  	_ =	swait.ge [sflag:s16], $0x7D0  }
0xc4: {  	[sflag:s16] =	ssyncset.done $0x0  }
0xc5: {  	s22 =	rddreg [dreg:$0x5];
	[sflag:s16] =	ssyncadd.s32 $0xFFFFF830  }
0xc6: {  	[spmem:s2] =	stream.indirect.scatter.add.f32 [tilespmem:s22], [sflag:$0x5], $0x10, s20, s18, $0xb8;
	[tilespmem:$0x1D0F0] =	vst v63  }
0xc7: {  	_ =	swait.ge [sflag:s16], $0x7D0  }
0xc8: {  	[sflag:s16] =	ssyncset.done $0x0  }
0xc9: {  	s22 =	rddreg [dreg:$0x6];
	[sflag:s16] =	ssyncadd.s32 $0xFFFFF830  }
0xca: {  	[spmem:s2] =	stream.indirect.scatter.add.f32 [tilespmem:s22], [sflag:$0x5], $0x10, s21, s18, $0xb8;
	[tilespmem:$0x1D0F0] =	vst v63  }
0xcb: {  	_ =	swait.ge [sflag:s16], $0x7D0  }
0xcc: {  	[sflag:s16] =	ssyncset.done $0x0  }
0xcd: {  	[sflag:s16] =	ssyncadd.s32 $0xFFFFF830  }
0xce: {  	_ =	swait.ge [sflag:s29], $0x200  }
0xcf: {  	[sflag:s29] =	ssyncset.done $0x0  }
0xd0: {  	p3 =	seq.s32 s10, $0x6380;
	[sflag:s29] =	ssyncadd.s32 $0xFFFFFE00  }
0xd1: {  	s10 =	sadd.s32 @!p3 s10, s6;
	_ =	swait.ge [sflag:s30], $0x1F40  }
0xd2: {  	s10 =	sadd.s32 @!p3 $0x80, s10;
	[sflag:s30] =	ssyncset.done $0x0  }
0xd3: {  	s14 =	simm.s32 @!p3 $0x186A0;
	s22 =	simm.s32 @!p3 $0x0;
	[sflag:s30] =	ssyncadd.s32 $0xFFFFE0C0  }
0xd4: {  	[tilespmem:s14], [sflag:$0x1] =	stream.linear.gather @!p3 [hbm4b:s10+s22], $0x200, $0x38;
	[tilespmem:$0x1D0F0] =	vst v63  }
0xd5: {  	s10 =	sadd.s32 @!p3 $0x3E8, s11;
	s14 =	simm.s32 @!p3 $0x188A0  }
0xd6: {  	[tilespmem:s14], [sflag:$0x2] =	stream.linear.gather @!p3 [hbm4b:s10+s22], $0x1F40, $0x38;
	[tilespmem:$0x1D0F0] =	vst v63  }
0xd7: {  	_ = 	snop  }
0xd8: {  	[spmem:s2] =	stream.indirect.scatter.add.f32 [tilespmem:s28], [sflag:$0x5], $0x10, s26, s18, $0xb8;
	[tilespmem:$0x1D0F0] =	vst v63  }
0xd9: {  	_ =	swait.ge [sflag:s16], $0x7D0  }
0xda: {  	s14 =	rddreg [dreg:$0x7];
	[sflag:s16] =	ssyncset.done $0x0  }
0xdb: {  	s22 =	rddreg [dreg:$0x8];
	[sflag:s16] =	ssyncadd.s32 $0xFFFFF830  }
0xdc: {  	[spmem:s2] =	stream.indirect.scatter.add.f32 [tilespmem:s22], [sflag:$0x5], $0x10, s14, s18, $0xb8;
	[tilespmem:$0x1D0F0] =	vst v63  }
0xdd: {  	_ =	swait.ge [sflag:s16], $0x7D0  }
0xde: {  	s8 =	sadd.s32 $0x80, s8;
	[sflag:s16] =	ssyncset.done $0x0  }
0xdf: {  	p2 =	seq.s32 s8, $0x6400;
	[sflag:s16] =	ssyncadd.s32 $0xFFFFF830  }
0xe0: {  	[spmem:s2] =	stream.indirect.scatter.add.f32 [tilespmem:s0], [sflag:$0x5], $0x10, s31, s18, $0xb8;
	[tilespmem:$0x1D0F0] =	vst v63  }
.Ltmp5:
0xe1: {  	_ =	swait.ge [sflag:s16], $0x7D0;
	(pc) =	sbr.rel @!p2 .LBB2_3-.Ltmp5, $4  }
0xe2: {  	[sflag:s16] =	ssyncset.done $0x0  }
0xe3: {  	[sflag:s16] =	ssyncadd.s32 $0xFFFFF830  }
0xe4: {  	[spmem:s2] =	stream.indirect.scatter.add.f32 [tilespmem:s7], [sflag:$0x5], $0x10, s1, s18, $0xb8;
	[tilespmem:$0x1D0F0] =	vst v63  }
0xe5: {  	_ =	swait.ge [sflag:s16], $0x7D0  }
.Ltmp6:
0xe6: {  	(pc) =	sbr.rel .LBB2_8-.Ltmp6, $3  }
0xe7: {  	_ =	sdelay $0x1  }
0xe8: {  	[sflag:s16] =	ssyncset.done $0x0  }
0xe9: {  	s22 =	smov.u32 s9;
	s9 =	rddreg [dreg:$0xb];
	[sflag:s16] =	ssyncadd.s32 $0xFFFFF830  }
.LBB2_9:
0xea: {  	_ =	sfence.sel $0x180000  }
0xeb: {  	[bflag:$0x0] =	sbarrier.arrive $0xFFFF  }
0xec: {  	_ =	strace $0x90000047  }
0xed: {  	s0 =	stileid.u32;
	[bflag:$0x2] =	sbarrier.arrive $0xFFFF  }
0xee: {  	p0 =	sne.s32 s0, $0x0;
	s0 =	rddreg [dreg:$0x3]  }
0xef: {  	s0 =	sadd.s32 @!p0 $0x100000, s0  }
0xf0: {  	[sflag:s0] =	ssyncadd.tile.s32 @!p0 $0x1;
	_ =	shalt  }
.Lfunc_end2:
_tile_overlayer_lowered:
.L_overlay_start_2:
0xf1: {  	(tag) =	ssettag $0x2  }
0xf2: {  	s0 =	rddreg [dreg:$0x0];
	s2 =	stileid.u32  }
0xf3: {  	s1 =	rddreg [dreg:$0x1];
	p0 =	sne.s32 s2, $0x0  }
0xf4: {  	s3 =	rddreg [dreg:$0x2];
	[bflag:$0x3] =	sbarrier.arrive $0xFFFF;
	s2 =	simm.s32 @!p0 $0x1C05  }
0xf5: {  	[timem:s3], [sflag:s2] =	dma.local @!p0 [hbm:s0], s1  }
0xf6: {  	s0 =	simm.s32 @!p0 $0x5  }
0xf7: {  	_ =	swait.ge @!p0 [sflag:s0], s1  }
0xf8: {  	s1 =	ssub.s32 @!p0 $0x0, s1;
	[sflag:s0] =	ssyncset.done @!p0 $0x0  }
0xf9: {  	[sflag:s0] =	ssyncadd.s32 @!p0 s1  }
0xfa: {  	[bflag:$0x3] =	sbarrier.arrive $0xFFFF  }
0xfb: {  	_ =	shalt  }

// kernel: kernel.9.cloned.1.call-start
scs
__scs_entry_jumppad:
0x0: {  	(pc) =	sbr.rel $0x88, $3  }
0x1: {  	(tag) =	ssettag $0x0;
	lr =	simm.s32 $0x1  }
0x2: {  	[smem:$0x3F9A] =	sst lr;
	_ =	strace $0xD0000000  }
0x3: {  	_ = 	snop  }
0x4: {  	_ = 	snop  }
0x5: {  	_ = 	snop  }
0x6: {  	_ = 	snop  }
0x7: {  	_ = 	snop  }
__scs_overlays_trampoline_lowered:
0x8: {  	[smem:$0x3FA9] =	sst s0  }
0x9: {  	[smem:$0x3FAA] =	sst s1  }
0xa: {  	[smem:$0x3FAB] =	sst s2  }
0xb: {  	[smem:$0x3FAC] =	sst s3  }
0xc: {  	[smem:$0x3FAD] =	sst s4  }
0xd: {  	[smem:$0x3FAE] =	sst s5  }
0xe: {  	[smem:$0x3FAF] =	sst s6  }
0xf: {  	[smem:$0x3FB0] =	sst s7  }
0x10: {  	[smem:$0x3FB1] =	sst s8  }
0x11: {  	[smem:$0x3FB2] =	sst s9;
	s0 =	simm.s32 @!p0 $0x0  }
0x12: {  	s1 =	sld [smem:$0x3F98];
	s0 =	simm.s32 @p0 $0x1  }
0x13: {  	[smem:$0x3FB3] =	sst s0;
	s0 =	simm.s32 @!p1 $0x0  }
0x14: {  	s2 =	sld [smem:$0x3F97];
	s0 =	simm.s32 @p1 $0x1  }
0x15: {  	[smem:$0x3FB4] =	sst s0;
	s0 =	simm.s32 @!p2 $0x0  }
0x16: {  	s3 =	sld [smem:$0x3FDB];
	s0 =	simm.s32 @p2 $0x1  }
0x17: {  	s4 =	simm.s32 $0x1BF5;
	[smem:$0x3FB6] =	sst s0  }
0x18: {  	s0 =	sld [smem:$0x3F99];
	_ =	swait.ge [sflag:s4], $0x0  }
0x19: {  	s7 =	sld [smem:$0x3F9A]  }
0x1a: {  	s8 =	sadd.s32 $0xFFFFE003, lr  }
0x1b: {  	s9 =	sadd.s32 $0xFFFFFEF7, lr;
	s5 =	simm.s32 $0xFFFFFFFF;
	p2 =	slt.u32 s8, $0xFFFFF086  }
0x1c: {  	p1 =	slt.u32 s9, $0xF7A;
	s5 =	simm.s32 @!p2 $0x0  }
0x1d: {  	s5 =	simm.s32 @p1 $0x1;
	p0 =	seq.s32 s7, s2  }
0x1e: {  	s7 =	smul.u32 @!p0 $0xF7A, s2;
	p2 =	seq.s32 @!p0 s5, $0x0  }
0x1f: {  	s9 =	smul.u32 $0xF7A, s1;
	s8 =	simm.s32 @!p0 $0x1BF5;
	p2 =	por !p2, p0  }
0x20: {  	[sflag:s8] =	ssyncset.s32 @!p0 $0xFFFFF086;
	s6 =	sadd.s32 @!p0 s3, s7;
	s7 =	simm.s32 @!p0 $0x108  }
0x21: {  	s3 =	sadd.s32 s3, s9;
	s6 =	sadd.s32 @!p0 $0x88, s6;
	s7 =	simm.s32 @p2 $0x1082  }
0x22: {  	[simem:s7], [sflag:s8] =	dma.local @!p0 [hbm:s6], $0xF7A  }
0x23: {  	s9 =	sor.u32 $0xD0000000, s2;
	s6 =	simm.s32 $0x108;
	_ =	swait.ge @!p0 [sflag:s8], $0x0  }
0x24: {  	s3 =	sadd.s32 $0x88, s3;
	s6 =	simm.s32 @!p1 $0x1082;
	[sflag:s4] =	ssyncset.s32 $0xFFFFF086  }
0x25: {  	[simem:s6], [sflag:s4] =	dma.local [hbm:s3], $0xF7A  }
0x26: {  	[smem:$0x3F9A] =	sst s1;
	(tag) =	ssettag s2;
	_ =	strace s9  }
0x27: {  	s1 =	sld [smem:$0x3FAA]  }
0x28: {  	s2 =	sld [smem:$0x3FAB]  }
0x29: {  	s4 =	sld [smem:$0x3FAD]  }
0x2a: {  	p0 =	seq.s32 s5, $0x0;
	s5 =	sld [smem:$0x3FAE]  }
0x2b: {  	s6 =	sld [smem:$0x3FAF]  }
0x2c: {  	s7 =	sld [smem:$0x3FB0]  }
0x2d: {  	s3 =	simm.s32 $0x108;
	s8 =	sld [smem:$0x3FB1]  }
0x2e: {  	s3 =	simm.s32 @!p0 $0x1082;
	s9 =	sld [smem:$0x3FB2]  }
0x2f: {  	lr =	sadd.s32 s0, s3;
	s0 =	sld [smem:$0x3FA9]  }
0x30: {  	s3 =	sld [smem:$0x3FAC]  }
0x31: {  	[smem:$0x3FB5] =	sst s10  }
0x32: {  	s10 =	sld [smem:$0x3FB3];
	_ =	sdelay $0x3  }
0x33: {  	p0 =	seq.s32 s10, $0x1;
	s10 =	sld [smem:$0x3FB5];
	_ =	sdelay $0x3  }
0x34: {  	[smem:$0x3FB5] =	sst s10  }
0x35: {  	s10 =	sld [smem:$0x3FB4];
	_ =	sdelay $0x3  }
0x36: {  	p1 =	seq.s32 s10, $0x1;
	s10 =	sld [smem:$0x3FB5];
	_ =	sdelay $0x3  }
0x37: {  	[smem:$0x3FB5] =	sst s10  }
0x38: {  	s10 =	sld [smem:$0x3FB6]  }
0x39: {  	_ = 	snop;
	(pc) =	sbr.ind lr, $3  }
0x3a: {  	_ = 	snop  }
0x3b: {  	_ = 	snop  }
0x3c: {  	p2 =	seq.s32 s10, $0x1;
	s10 =	sld [smem:$0x3FB5]  }
0x3d: {  	_ =	shalt  }
0x3e: {  	_ =	shalt  }
0x3f: {  	_ =	shalt  }
0x40: {  	_ =	shalt  }
0x41: {  	_ =	shalt  }
0x42: {  	_ =	shalt  }
0x43: {  	_ =	shalt  }
0x44: {  	_ =	shalt  }
0x45: {  	_ =	shalt  }
0x46: {  	_ =	shalt  }
0x47: {  	_ =	shalt  }
0x48: {  	_ =	shalt  }
0x49: {  	_ =	shalt  }
0x4a: {  	_ =	shalt  }
0x4b: {  	_ =	shalt  }
0x4c: {  	_ =	shalt  }
0x4d: {  	_ =	shalt  }
0x4e: {  	_ =	shalt  }
0x4f: {  	_ =	shalt  }
0x50: {  	_ =	shalt  }
0x51: {  	_ =	shalt  }
0x52: {  	_ =	shalt  }
0x53: {  	_ =	shalt  }
0x54: {  	_ =	shalt  }
0x55: {  	_ =	shalt  }
0x56: {  	_ =	shalt  }
0x57: {  	_ =	shalt  }
0x58: {  	_ =	shalt  }
0x59: {  	_ =	shalt  }
0x5a: {  	_ =	shalt  }
0x5b: {  	_ =	shalt  }
0x5c: {  	_ =	shalt  }
0x5d: {  	_ =	shalt  }
0x5e: {  	_ =	shalt  }
0x5f: {  	_ =	shalt  }
0x60: {  	_ =	shalt  }
0x61: {  	_ =	shalt  }
0x62: {  	_ =	shalt  }
0x63: {  	_ =	shalt  }
0x64: {  	_ =	shalt  }
0x65: {  	_ =	shalt  }
0x66: {  	_ =	shalt  }
0x67: {  	_ =	shalt  }
0x68: {  	_ =	shalt  }
0x69: {  	_ =	shalt  }
0x6a: {  	_ =	shalt  }
0x6b: {  	_ =	shalt  }
0x6c: {  	_ =	shalt  }
0x6d: {  	_ =	shalt  }
0x6e: {  	_ =	shalt  }
0x6f: {  	_ =	shalt  }
0x70: {  	_ =	shalt  }
0x71: {  	_ =	shalt  }
0x72: {  	_ =	shalt  }
0x73: {  	_ =	shalt  }
0x74: {  	_ =	shalt  }
0x75: {  	_ =	shalt  }
0x76: {  	_ =	shalt  }
0x77: {  	_ =	shalt  }
0x78: {  	_ =	shalt  }
0x79: {  	_ =	shalt  }
0x7a: {  	_ =	shalt  }
0x7b: {  	_ =	shalt  }
0x7c: {  	_ =	shalt  }
0x7d: {  	_ =	shalt  }
0x7e: {  	_ =	shalt  }
0x7f: {  	_ =	shalt  }
0x80: {  	_ =	shalt  }
0x81: {  	_ =	shalt  }
0x82: {  	_ =	shalt  }
0x83: {  	_ =	shalt  }
0x84: {  	_ =	shalt  }
0x85: {  	_ =	shalt  }
0x86: {  	_ =	shalt  }
0x87: {  	_ =	shalt  }
.Lfunc_end0:
.L_simem_size_0:
called_computation.3_lowered:
.L_overlay_start_0:
0x88: {  	s2 =	sld [smem:$0x3FD9]  }
0x89: {  	s3 =	sld [smem:$0x3FFE];
	_ =	sdelay $0x1  }
0x8a: {  	s1 =	srdreg.scid  }
0x8b: {  	s0 =	sand.u32 $0x1, s1  }
0x8c: {  	s17 =	sshll.u32 s0, $0xA;
	s2 =	sadd.s32 s3, s2  }
0x8d: {  	s2 =	sadd.s32 s2, s17  }
0x8e: {  	[smem:$0x3FC1] =	sst s2  }
0x8f: {  	_ = 	snop  }
0x90: {  	s2 =	sld [smem:$0x3FD0];
	(tm) =	ssettm $0x1  }
0x91: {  	s18 =	sld [smem:$0x3FFB];
	_ =	sdelay $0x3  }
0x92: {  	_ =	strace s18  }
0x93: {  	s3 =	sld [smem:$0x3FFC];
	_ =	sdelay $0x3  }
0x94: {  	_ =	strace s3  }
0x95: {  	s3 =	sld [smem:$0x3FFD];
	_ =	sdelay $0x3  }
0x96: {  	_ =	strace s3  }
0x97: {  	_ =	strace $0x8FFFFFFF  }
0x98: {  	s19 =	sld [smem:$0x3FDB];
	_ =	sdelay $0x1  }
0x99: {  	s4 =	simm.s32 $_scs_section_size  }
0x9a: {  	s5 =	simm.s32 $_size__tile_overlayer_lowered;
	s6 =	simm.s32 $_tile_overlayer_lowered  }
0x9b: {  	s22 =	simm.s32 $0x1BFF;
	s21 =	sshll.u32 s6, $0x1;
	s3 =	sadd.s32 s4, s19  }
0x9c: {  	s7 =	simm.s32 $0x0;
	s20 =	sshll.u32 s5, $0x1;
	s5 =	sadd.s32 s21, s3  }
0x9d: {  	[timem:s7], [sflag:s22] =	dma.local [hbm:s5], s20  }
0x9e: {  	_ =	swait.ge [sflag:s22], s20  }
0x9f: {  	s4 =	ssub.s32 $0x0, s20;
	[sflag:s22] =	ssyncset.done $0x0  }
0xa0: {  	[sflag:s22] =	ssyncadd.s32 s4;
	_ =	sdelay $0x1  }
0xa1: {  	s23 =	simm.s32 $0x1B8B  }
0xa2: {  	_ =	swait.ge [sflag:s23], $0x1  }
0xa3: {  	[sflag:s23] =	ssyncset.done $0x0  }
0xa4: {  	s25 =	simm.s32 $0x1B8E;
	s24 =	sld [smem:$0x3FFE];
	[sflag:s23] =	ssyncadd.s32 $0xFFFFFFFF  }
0xa5: {  	s26 =	simm.s32 $execute0_lowered;
	[smem:$0x3FD2] =	sst s25  }
0xa6: {  	s5 =	sshll.u32 s26, $0x1;
	_ =	strace $0x8000004F;
	[dreg:$0x1] =	wrdreg $0xFFFFFFFF  }
0xa7: {  	s28 =	simm.s32 $_size_execute0_lowered;
	s3 =	sadd.s32 s3, s5;
	[dreg:$0x0] =	wrdreg $0x0  }
0xa8: {  	s5 =	sshll.u32 s28, $0x1;
	[dreg:$0x2] =	wrdreg s3  }
0xa9: {  	[dreg:$0x3] =	wrdreg s5  }
0xaa: {  	[dreg:$0x4] =	wrdreg $0xC0  }
0xab: {  	_ =	task [dreg:s7], $0x5FFFF  }
0xac: {  	[dreg:$0x1] =	wrdreg $0xFFFFFFFF  }
0xad: {  	[dreg:$0x0] =	wrdreg $0x60  }
0xae: {  	[dreg:$0x2] =	wrdreg s24  }
0xaf: {  	[dreg:$0x3] =	wrdreg s2  }
0xb0: {  	[dreg:$0x4] =	wrdreg $0x9  }
0xb1: {  	_ =	task.clear_ibuf [dreg:s7], $0x5FFFF;
	_ =	strace $0x9000004F  }
0xb2: {  	s29 =	simm.s32 $0x9;
	_ =	strace $0x80000051  }
0xb3: {  	_ =	swait.ge [sflag:s29], $0x1  }
0xb4: {  	[sflag:s29] =	ssyncadd.s32 $0xFFFFFFFF  }
0xb5: {  	_ =	strace $0x90000051  }
0xb6: {  	_ =	sfence  }
0xb7: {  	s30 =	sld [smem:$0x0];
	_ =	sdelay $0x2  }
0xb8: {  	s31 =	sshll.u32 s1, $0xD;
	s1 =	sshrl.u32 s1, $0x2  }
0xb9: {  	s3 =	sand.u32 $0x4000, s31;
	s1 =	sadd.s32 s1, s30  }
0xba: {  	s0 =	sor.u32 s3, s0;
	s1 =	sshll.u32 s1, $0x11  }
0xbb: {  	s0 =	sor.u32 s1, s0  }
0xbc: {  	s0 =	sadd.s32 $0x8F2B, s0  }
0xbd: {  	[sflag:s0] =	ssyncadd.remote.s32 $0x1  }
0xbe: {  	_ =	sfence.sel $0xFFFF  }
0xbf: {  	[dreg:$0x0] =	wrdreg $0xFFFFFFFF;
	(pc) =	sbr.abs _section_cstart, $3  }
0xc0: {  	[dreg:$0x1] =	wrdreg $0xFFFFFFFF  }
0xc1: {  	_ =	task.clear_ibuf [dreg:s7], $0x2FFFF;
	_ =	strace $0x9FFFFFFF  }
0xc2: {  	(tm) =	ssettm $0x7FFFFFFF  }
0xc3: {  	_ =	shalt  }
tec
execute0_lowered:
.L_overlay_start_1:
0x0: {  	(tag) =	ssettag $0x1  }
0x1: {  	s0 =	srdreg.scid;
	s9 =	rddreg [dreg:$0x0]  }
0x2: {  	s11 =	rddreg [dreg:$0x1];
	s2 =	simm.s32 $0x0;
	s15 =	simm.s32 $0x80  }
0x3: {  	s16 =	simm.s32 $0x1900;
	s17 =	simm.s32 $0x2100;
	s18 =	simm.s32 $0x1  }
0x4: {  	s19 =	simm.s32 $0x2;
	s20 =	simm.s32 $0x4;
	s3 =	sand.u32 $0x1, s0  }
0x5: {  	s0 =	stileid.u32;
	[smem:$0x7FF] =	sst s2;
	s1 =	sshll.u32 s3, $0x4  }
0x6: {  	s12 =	smul.u32 $0x18700, s3;
	s5 =	ssub.s32 $0x2, s3;
	s3 =	sadd.s32 $0x4600, s9  }
0x7: {  	s14 =	smul.u32 $0x1870, s0;
	s21 =	sor.u32 s0, s1;
	s1 =	rddreg [dreg:$0x2]  }
0x8: {  	_ =	strace $0x80000050;
	s6 =	sshrl.u32 s5, $0x1;
	s4 =	smul.u32 $0x190, s21  }
0x9: {  	s13 =	sadd.s32 s12, s9;
	s8 =	ssub.s32 s5, s6;
	p0 =	seq.s32 s21, $0x1F  }
0xa: {  	s5 =	simm.s32 $0x17;
	s12 =	sadd.s32 s12, s11;
	p1 =	sne.s32 s21, $0x1F  }
.Ltmp0:
0xb: {  	s21 =	simm.s32 $0x0;
	s5 =	simm.s32 @!p0 $0x18;
	(pc) =	sbr.rel .LBB2_1-.Ltmp0, $4  }
0xc: {  	s13 =	sadd.s32 s14, s13;
	s12 =	sadd.s32 s14, s12;
	s14 =	simm.s32 $0xC80  }
0xd: {  	s7 =	sadd.s32 s4, s9;
	s9 =	sadd.s32 $0x69290, s9;
	s10 =	sshll.u32 s5, $0x9  }
0xe: {  	s4 =	sadd.s32 $0x35400, s7;
	s6 =	sadd.s32 $0x1400, s7;
	s7 =	smax.u32 s8, $0x1  }
0xf: {  	s8 =	sadd.s32 $0x30C90, s11;
	s11 =	sadd.s32 $0x38600, s13;
	s13 =	simm.s32 $0x3  }
.LBB2_6:
0x10: {  	s21 =	sadd.s32 $0x1, s21  }
0x11: {  	p2 =	sne.s32 s21, s7  }
.Ltmp1:
0x12: {  	_ = 	snop;
	(pc) =	sbr.rel @!p2 .LBB2_7-.Ltmp1, $1  }
0x13: {  	_ =	sdelay $0x3  }
.LBB2_1:
0x14: {  	[tilespmem:s2], [sflag:$0x3] =	stream.linear.gather [hbm4b:s4+s2], $0xC80, $0x38;
	[tilespmem:$0x2900] =	vst v63  }
0x15: {  	_ =	swait.ge [sflag:s13], $0xC80  }
0x16: {  	[sflag:s13] =	ssyncset.done $0x0  }
.Ltmp2:
0x17: {  	[sflag:s13] =	ssyncadd.s32 $0xFFFFF380;
	(pc) =	sbr.rel .LBB2_2-.Ltmp2, $4  }
0x18: {  	[tilespmem:s14], [sflag:$0x3] =	stream.linear.gather [hbm4b:s6+s2], $0xC80, $0x38;
	[tilespmem:$0x2900] =	vst v63  }
0x19: {  	_ =	swait.ge [sflag:s13], $0xC80  }
0x1a: {  	s22 =	smov.u32 s12;
	s23 =	smov.u32 s11;
	[sflag:s13] =	ssyncset.done $0x0  }
0x1b: {  	s24 =	simm.s32 $0x0;
	s25 =	simm.s32 $0x0;
	[sflag:s13] =	ssyncadd.s32 $0xFFFFF380  }
.LBB2_4:
0x1c: {  	p2 =	sne.s32 @!p1 s10, s24  }
0x1d: {  	p2 =	por p2, p1  }
0x1e: {  	s26 =	simm.s32 @!p2 $0x0;
	s28 =	simm.s32 @!p2 $0x1900  }
0x1f: {  	[hbm4b:s8+s26] =	stream.linear.scatter @!p2 [tilespmem:s28], [sflag:$0x4], $0x580, $0x38;
	[tilespmem:$0x2900] =	vst v63  }
0x20: {  	s28 =	simm.s32 @!p2 $0x4  }
0x21: {  	_ =	swait.ge @!p2 [sflag:s28], $0x580  }
0x22: {  	[sflag:s28] =	ssyncset.done @!p2 $0x0  }
0x23: {  	[sflag:s28] =	ssyncadd.s32 @!p2 $0xFFFFFA80;
	s28 =	simm.s32 @!p2 $0x2100  }
0x24: {  	[hbm4b:s9+s26] =	stream.linear.scatter @!p2 [tilespmem:s28], [sflag:$0x3], $0x580, $0x38;
	[tilespmem:$0x2900] =	vst v63  }
0x25: {  	s26 =	simm.s32 @!p2 $0x3  }
0x26: {  	_ =	swait.ge @!p2 [sflag:s26], $0x580  }
0x27: {  	[sflag:s26] =	ssyncset.done @!p2 $0x0  }
0x28: {  	[sflag:s26] =	ssyncadd.s32 @!p2 $0xFFFFFA80  }
.LBB2_5:
0x29: {  	s24 =	sadd.s32 $0x200, s24  }
0x2a: {  	p2 =	sne.s32 s24, $0x3200  }
.Ltmp3:
0x2b: {  	_ = 	snop;
	(pc) =	sbr.rel @!p2 .LBB2_6-.Ltmp3, $2  }
0x2c: {  	_ =	sdelay $0x2  }
0x2d: {  	s25 =	sadd.s32 $0x1, s25;
	s23 =	sadd.s32 $0x100, s23;
	s22 =	sadd.s32 $0x100, s22  }
.LBB2_2:
0x2e: {  	s26 =	sshra.s32 s24, $0x2  }
0x2f: {  	[tilespmem:s16], [sflag:$0x1] =	stream.indirect.gather [hbm4b:s3+s15], $0x10, s26, s15, $0xb8;
	[tilespmem:$0x2900] =	vst v63  }
0x30: {  	s26 =	sadd.s32 $0xC80, s26  }
0x31: {  	[tilespmem:s17], [sflag:$0x2] =	stream.indirect.gather [hbm4b:s3+s15], $0x10, s26, s15, $0xb8;
	[tilespmem:$0x2900] =	vst v63  }
0x32: {  	_ =	swait.ge [sflag:s18], $0x800  }
0x33: {  	[sflag:s18] =	ssyncset.done $0x0  }
0x34: {  	[sflag:s18] =	ssyncadd.s32 $0xFFFFF800  }
0x35: {  	_ =	swait.ge [sflag:s19], $0x800  }
0x36: {  	p2 =	sge.u32 s25, s5;
	[sflag:s19] =	ssyncset.done $0x0  }
0x37: {  	s28 =	simm.s32 @!p2 $0x1900;
	s26 =	simm.s32 @!p2 $0x0;
	[sflag:s19] =	ssyncadd.s32 $0xFFFFF800  }
0x38: {  	[hbm4b:s22+s26] =	stream.linear.scatter @!p2 [tilespmem:s28], [sflag:$0x4], $0x800, $0x38;
	[tilespmem:$0x2900] =	vst v63  }
0x39: {  	s28 =	simm.s32 @!p2 $0x4  }
0x3a: {  	p3 =	sne.s32 @!p0 s10, s24;
	_ =	swait.ge @!p2 [sflag:s28], $0x800  }
0x3b: {  	p3 =	por p0, p3;
	[sflag:s28] =	ssyncset.done @!p2 $0x0  }
.Ltmp4:
0x3c: {  	s29 =	simm.s32 @!p2 $0x2100;
	[sflag:s28] =	ssyncadd.s32 @!p2 $0xFFFFF800;
	(pc) =	sbr.rel @p3 .LBB2_4-.Ltmp4, $4  }
0x3d: {  	[hbm4b:s23+s26] =	stream.linear.scatter @!p2 [tilespmem:s29], [sflag:$0x4], $0x800, $0x38;
	[tilespmem:$0x2900] =	vst v63  }
0x3e: {  	_ =	swait.ge @!p2 [sflag:s28], $0x800  }
0x3f: {  	[sflag:s28] =	ssyncset.done @!p2 $0x0  }
0x40: {  	[sflag:s28] =	ssyncadd.s32 @!p2 $0xFFFFF800  }
0x41: {  	[hbm4b:s22+s2] =	stream.linear.scatter [tilespmem:s16], [sflag:$0x4], $0x380, $0x38;
	[tilespmem:$0x2900] =	vst v63  }
0x42: {  	_ =	swait.ge [sflag:s20], $0x380  }
0x43: {  	[sflag:s20] =	ssyncset.done $0x0  }
.Ltmp5:
0x44: {  	[sflag:s20] =	ssyncadd.s32 $0xFFFFFC80;
	(pc) =	sbr.rel .LBB2_5-.Ltmp5, $4  }
0x45: {  	[hbm4b:s23+s2] =	stream.linear.scatter [tilespmem:s17], [sflag:$0x4], $0x380, $0x38;
	[tilespmem:$0x2900] =	vst v63  }
0x46: {  	_ =	swait.ge [sflag:s20], $0x380  }
0x47: {  	[sflag:s20] =	ssyncset.done $0x0  }
0x48: {  	[sflag:s20] =	ssyncadd.s32 $0xFFFFFC80  }
.LBB2_7:
0x49: {  	_ =	sfence.sel $0x180000  }
0x4a: {  	[bflag:$0x0] =	sbarrier.arrive $0xFFFF  }
0x4b: {  	p0 =	sne.s32 s0, $0x0;
	_ =	strace $0x90000050  }
0x4c: {  	s0 =	sadd.s32 @!p0 $0x100000, s1;
	[bflag:$0x2] =	sbarrier.arrive $0xFFFF  }
0x4d: {  	[sflag:s0] =	ssyncadd.tile.s32 @!p0 $0x1;
	_ =	shalt  }
.Lfunc_end2:
_tile_overlayer_lowered:
.L_overlay_start_2:
0x4e: {  	(tag) =	ssettag $0x2  }
0x4f: {  	s0 =	rddreg [dreg:$0x0];
	s2 =	stileid.u32  }
0x50: {  	s1 =	rddreg [dreg:$0x1];
	p0 =	sne.s32 s2, $0x0  }
0x51: {  	s3 =	rddreg [dreg:$0x2];
	[bflag:$0x3] =	sbarrier.arrive $0xFFFF;
	s2 =	simm.s32 @!p0 $0x1C03  }
0x52: {  	[timem:s3], [sflag:s2] =	dma.local @!p0 [hbm:s0], s1  }
0x53: {  	s0 =	simm.s32 @!p0 $0x3  }
0x54: {  	_ =	swait.ge @!p0 [sflag:s0], s1  }
0x55: {  	s1 =	ssub.s32 @!p0 $0x0, s1;
	[sflag:s0] =	ssyncset.done @!p0 $0x0  }
0x56: {  	[sflag:s0] =	ssyncadd.s32 @!p0 s1  }
0x57: {  	[bflag:$0x3] =	sbarrier.arrive $0xFFFF  }
0x58: {  	_ =	shalt  }

</sc_bundles>
